<compile_context>
chip_gen: v7x
topology: tpu7x:2x2x1
jax: 0.10.2.dev20260603
libtpu: 0.0.44.dev20260713+nightly
codegen_flags: <defaults>
</compile_context>

<pallas_src>
import functools

import jax
import jax.numpy as jnp
from jax import lax
from jax.experimental import pallas as pl
from jax.experimental.pallas import tpu as pltpu
from jax.experimental.pallas import tpu_sc as plsc

_N = 10000
_E = 320000
_D = 128
_G = 64

_NC = 2
_NS = 16
_TILES = _NC * _NS

_CHUNK = 128
_NBUF = 1
_DG = 1
_DS = 1
_T = 8 * (-(-_E // (_CHUNK * _TILES * 8)))
_E_PAD = _CHUNK * _TILES * _T
_EDGES_PER_TILE = _CHUNK * _T
_EDGES_PER_SC = _EDGES_PER_TILE * _NS
_ACC_ROWS = 10240
_ROWS_PER_TILE = _ACC_ROWS // _NS

_CHUNK_DEG = 128
_T_DEG = _E_PAD // (_CHUNK_DEG * _TILES)
_EDGES_PER_TILE_DEG = _CHUNK_DEG * _T_DEG
_EDGES_PER_SC_DEG = _EDGES_PER_TILE_DEG * _NS

_mesh = plsc.VectorSubcoreMesh(core_axis_name="c", subcore_axis_name="s")


@functools.partial(
    pl.kernel,
    out_type=jax.ShapeDtypeStruct((_TILES, _ACC_ROWS), jnp.float32),
    mesh=_mesh,
    scratch_types=[
        pltpu.VMEM((_T_DEG, _CHUNK_DEG), jnp.int32),
        pltpu.VMEM((_ACC_ROWS,), jnp.float32),
    ],
    compiler_params=pltpu.CompilerParams(needs_layout_passes=False),
)
def _sc_degree(dst_hbm, zeros_hbm, out_hbm, idx_a, acc_v):
    c = lax.axis_index("c")
    s = lax.axis_index("s")
    wid = c * _NS + s
    pltpu.sync_copy(zeros_hbm, acc_v)
    ones = jnp.ones((16,), jnp.float32)

    base_chunk = (c * _NS + s) * _T_DEG
    pltpu.sync_copy(dst_hbm.at[pl.ds(base_chunk, _T_DEG)], idx_a)

    def body(g, carry):
        for j in range(_CHUNK_DEG // 16):
            idx = idx_a[g, pl.ds(j * 16, 16)]
            plsc.addupdate_scatter(acc_v, [idx], ones)
        return carry

    lax.fori_loop(0, _T_DEG, body, 0)
    pltpu.sync_copy(acc_v, out_hbm.at[wid])


@functools.partial(
    pl.kernel,
    out_type=jax.ShapeDtypeStruct((_NC, _ACC_ROWS, _D), jnp.float32),
    mesh=_mesh,
    scratch_types=(
        [pltpu.VMEM((_T, _CHUNK), jnp.int32)]
        + [pltpu.VMEM((_CHUNK,), jnp.int32) for _ in range(2)]
        + [pltpu.VMEM((_CHUNK, _D), jnp.float32) for _ in range(2)]
        + [pltpu.VMEM_SHARED((_ACC_ROWS, _D), jnp.float32)]
        + [pltpu.SemaphoreType.DMA for _ in range(5)]
    ),
)
def _sc_aggregate(hs_hbm, src_hbm, dst_hbm, zeros_hbm, out_hbm, *refs):
    src_a = refs[0]
    dst_v = refs[1:3]
    rows_v = refs[3:5]
    acc_s = refs[5]
    gsem = refs[6:8]
    isem = refs[8:10]
    zsem = refs[10]

    c_ax = lax.axis_index("c")
    s_ax = lax.axis_index("s")
    row0 = s_ax * _ROWS_PER_TILE
    zero_dst = acc_s.at[pl.ds(row0, _ROWS_PER_TILE)]
    pltpu.async_copy(zeros_hbm, zero_dst, zsem)

    base_chunk = (c_ax * _NS + s_ax) * _T
    pltpu.sync_copy(src_hbm.at[pl.ds(base_chunk, _T)], src_a)

    def start_fetch(g, b):
        pltpu.async_copy(dst_hbm.at[base_chunk + g], dst_v[b], isem[b])
        pltpu.async_copy(hs_hbm.at[src_a.at[g]], rows_v[b], gsem[b])

    def wait_fetch(g, b):
        pltpu.make_async_copy(dst_hbm.at[base_chunk + g], dst_v[b],
                              isem[b]).wait()
        pltpu.make_async_copy(hs_hbm.at[src_a.at[g]], rows_v[b],
                              gsem[b]).wait()

    start_fetch(0, 0)
    pltpu.make_async_copy(zeros_hbm, zero_dst, zsem).wait()
    plsc.subcore_barrier()

    def body(k, carry):
        for j in range(2):
            g = k * 2 + j
            gn = jnp.minimum(g + 1, _T - 1)
            start_fetch(gn, (j + 1) % 2)
            wait_fetch(g, j)
            pltpu.sync_copy(rows_v[j], acc_s.at[dst_v[j]], add=True)
        return carry

    lax.fori_loop(0, _T // 2, body, 0)
    wait_fetch(_T - 1, 0)

    plsc.subcore_barrier()
    pltpu.sync_copy(
        acc_s.at[pl.ds(row0, _ROWS_PER_TILE)],
        out_hbm.at[c_ax, pl.ds(row0, _ROWS_PER_TILE)],
    )


def _mm(a, b_t):
    return lax.dot_general(a, b_t, (((1,), (1,)), ((), ())),
                           preferred_element_type=jnp.float32)


def _tc1_body(x_ref, w1_ref, degp_ref, hs1_ref, dinv_ref):
    deg = jnp.sum(degp_ref[:, : _N], axis=0) + 1.0
    dinv = lax.rsqrt(deg)
    h1 = _mm(x_ref[...], w1_ref[...])
    hs1_ref[...] = h1 * dinv[:, None]
    dinv_ref[...] = dinv


def _tc2_body(msgp_ref, hs1_ref, dinv_ref, b1_ref, g1_ref, be1_ref, w2_ref,
              hs2_ref):
    dinv = dinv_ref[...]
    msg = msgp_ref[0, : _N, :] + msgp_ref[1, : _N, :]
    t = dinv[:, None] * (msg + hs1_ref[...]) + b1_ref[...][None, :]
    mu = jnp.mean(t, axis=0)
    var = jnp.mean((t - mu[None, :]) ** 2, axis=0)
    y = (t - mu[None, :]) * lax.rsqrt(var + 1e-5)[None, :] * g1_ref[...][None, :]
    y = jnp.maximum(y + be1_ref[...][None, :], 0.0)
    h2 = _mm(y, w2_ref[...])
    hs2_ref[...] = h2 * dinv[:, None]


def _tc3_body(msgp_ref, hs2_ref, dinv_ref, b2_ref, g2_ref, be2_ref,
              batch_ref, wo_ref, bo_ref, out_ref):
    dinv = dinv_ref[...]
    msg = msgp_ref[0, : _N, :] + msgp_ref[1, : _N, :]
    t = dinv[:, None] * (msg + hs2_ref[...]) + b2_ref[...][None, :]
    mu = jnp.mean(t, axis=0)
    var = jnp.mean((t - mu[None, :]) ** 2, axis=0)
    y = (t - mu[None, :]) * lax.rsqrt(var + 1e-5)[None, :] * g2_ref[...][None, :]
    y = jnp.maximum(y + be2_ref[...][None, :], 0.0)

    gids = lax.broadcasted_iota(jnp.int32, (_N, _G), 1)
    seg = (batch_ref[...][:, None] == gids).astype(jnp.float32)
    sums = lax.dot_general(seg, y, (((0,), (0,)), ((), ())),
                           preferred_element_type=jnp.float32)
    cnt = jnp.sum(seg, axis=0)
    mean = sums / jnp.maximum(cnt, 1.0)[:, None]
    out_ref[...] = _mm(mean, wo_ref[...]) + bo_ref[...][None, :]


def kernel(x, edge_index, batch, W1, b1, g1, be1, W2, b2, g2, be2, Wo, bo):
    pad = _E_PAD - _E
    src = edge_index[0].astype(jnp.int32)
    dst = edge_index[1].astype(jnp.int32)
    ar = jnp.arange(pad, dtype=jnp.int32)
    srcp = jnp.concatenate([src, ar % _N]).reshape(-1, _CHUNK)
    dstp = jnp.concatenate([dst, _N + ar % (_ACC_ROWS - _N)]).reshape(-1, _CHUNK)

    zeros1d = jnp.zeros((_ACC_ROWS,), jnp.float32)
    zerosD = jnp.zeros((_ROWS_PER_TILE, _D), jnp.float32)

    degp = _sc_degree(dstp, zeros1d)

    hs1, dinv = pl.pallas_call(
        _tc1_body,
        out_shape=(
            jax.ShapeDtypeStruct((_N, _D), jnp.float32),
            jax.ShapeDtypeStruct((_N,), jnp.float32),
        ),
    )(x, W1, degp)

    msg1 = _sc_aggregate(hs1, srcp, dstp, zerosD)

    hs2 = pl.pallas_call(
        _tc2_body,
        out_shape=jax.ShapeDtypeStruct((_N, _D), jnp.float32),
    )(msg1, hs1, dinv, b1, g1, be1, W2)

    msg2 = _sc_aggregate(hs2, srcp, dstp, zerosD)

    out = pl.pallas_call(
        _tc3_body,
        out_shape=jax.ShapeDtypeStruct((_G, _D), jnp.float32),
    )(msg2, hs2, dinv, b2, g2, be2, batch.astype(jnp.int32), Wo, bo)
    return out

# --- scband reference (transcript-rebuilt; emitter-appended) ---
"""Pipeline reference for scband-ugcnn-85495618994585 (READ-ONLY COPY).

The authoritative reference and input builder live on the scoring server;
editing this copy changes nothing except your own understanding.
"""

import jax, jax.numpy as jnp
import numpy as np

N = 10000
E = 320000
D_IN = 128
H1 = 128
H2 = 128
D_OUT = 128
G = 64


def setup_inputs(seed: int = 0):
    key = jax.random.key(seed)
    ks = jax.random.split(key, 8)
    x = jax.random.normal(ks[0], (N, D_IN), dtype=jnp.float32)
    edge_index = jax.random.randint(ks[1], (2, E), 0, N)
    batch = jnp.sort(jax.random.randint(ks[2], (N,), 0, G))
    W1 = jax.random.normal(ks[3], (H1, D_IN), dtype=jnp.float32) * 0.05
    b1 = jnp.zeros((H1,), jnp.float32)
    g1 = jnp.ones((H1,), jnp.float32)
    be1 = jnp.zeros((H1,), jnp.float32)
    W2 = jax.random.normal(ks[4], (H2, H1), dtype=jnp.float32) * 0.05
    b2 = jnp.zeros((H2,), jnp.float32)
    g2 = jnp.ones((H2,), jnp.float32)
    be2 = jnp.zeros((H2,), jnp.float32)
    Wo = jax.random.normal(ks[5], (D_OUT, H2), dtype=jnp.float32) * 0.05
    bo = jnp.zeros((D_OUT,), jnp.float32)
    return {"x": x, "edge_index": edge_index, "batch": batch, "W1": W1, "b1": b1, "g1": g1, "be1": be1, "W2": W2, "b2": b2, "g2": g2, "be2": be2, "Wo": Wo, "bo": bo}


def _gcn_conv(x, src, dst, W, b):
    # PyG GCNConv default: linear first, symmetric normalization with self-loops
    h = x @ W.T
    n = x.shape[0]
    deg = jnp.zeros((n,), h.dtype).at[dst].add(1.0) + 1.0  # +1 for self-loop
    dinv = jax.lax.rsqrt(deg)
    coef = (dinv[src] * dinv[dst])[:, None]
    out = jnp.zeros_like(h).at[dst].add(h[src] * coef)
    out = out + h * (dinv * dinv)[:, None]  # self-loop messages
    return out + b


def _batchnorm(x, g, b):
    # training-mode batch statistics over the node dimension (PyG BatchNorm)
    mu = jnp.mean(x, axis=0)
    var = jnp.mean((x - mu) ** 2, axis=0)
    return (x - mu) * jax.lax.rsqrt(var + 1e-5) * g + b


def reference(x, edge_index, batch, W1, b1, g1, be1, W2, b2, g2, be2, Wo, bo):
    src = edge_index[0]
    dst = edge_index[1]
    h = _gcn_conv(x, src, dst, W1, b1)
    h = jax.nn.relu(_batchnorm(h, g1, be1))  # dropout p=0.1 -> identity in eval
    h = _gcn_conv(h, src, dst, W2, b2)
    h = jax.nn.relu(_batchnorm(h, g2, be2))
    sums = jax.ops.segment_sum(h, batch, num_segments=G)
    cnt = jax.ops.segment_sum(jnp.ones((h.shape[0],), h.dtype), batch, num_segments=G)
    mean = sums / jnp.maximum(cnt, 1.0)[:, None]
    return mean @ Wo.T + bo

if __name__ == "__main__":
    import jax
    _d = setup_inputs()
    print(jax.jit(kernel)(*tuple(_d.values())))

</pallas_src>

<mosaic_0001>
#map = affine_map<(d0, d1) -> (0, 0)>
#map1 = affine_map<(d0, d1) -> (0)>
module attributes {stable_mosaic.version = 14 : i64} {
  func.func @_sc_degree(%arg0: i32, %arg1: i32, %arg2: memref<2560x128xi32, #tpu.memory_space<hbm>>, %arg3: memref<10240xf32, #tpu.memory_space<hbm>>, %arg4: memref<32x10240xf32, #tpu.memory_space<hbm>>, %arg5: memref<80x128xi32, #tpu.memory_space<vmem>>, %arg6: memref<10240xf32, #tpu.memory_space<vmem>>) attributes {dimension_semantics = [#tpu.dimension_semantics<core_parallel>, #tpu.dimension_semantics<subcore_parallel>], iteration_bounds = array<i64: 2, 16>, scalar_prefetch = 0 : i64, scratch_operands = 2 : i64, tpu.core_type = #tpu.core_type<sc_vector_subcore>, window_params = [{transform_indices = #map}, {transform_indices = #map1}, {transform_indices = #map}]} {
    %mul3A = arith.constant 16 : i32
    %mul3A_0 = arith.muli %arg0, %mul3A : i32
    %add3A = arith.addi %mul3A_0, %arg1 : i32
    "tpu.region"() ({
      %run_scoped3A = tpu.sem_alloc : memref<!tpu.dma_semaphore, #tpu.memory_space<semaphore_mem>>
      tpu.enqueue_dma source(%arg3 : memref<10240xf32, #tpu.memory_space<hbm>>) target(%arg6 : memref<10240xf32, #tpu.memory_space<vmem>>) target_semaphore(%run_scoped3A : memref<!tpu.dma_semaphore, #tpu.memory_space<semaphore_mem>>)
      tpu.wait_dma2 semaphore(%run_scoped3A : memref<!tpu.dma_semaphore, #tpu.memory_space<semaphore_mem>>) src(%arg3 : memref<10240xf32, #tpu.memory_space<hbm>>) dst(%arg6 : memref<10240xf32, #tpu.memory_space<vmem>>)
      tpu.yield
    }) : () -> ()
    %broadcast_in_dim3A = arith.constant 1.000000e+00 : f32
    %broadcast_in_dim3A_1 = vector.broadcast %broadcast_in_dim3A : f32 to vector<16xf32>
    %mul3A_2 = arith.constant 16 : i32
    %mul3A_3 = arith.muli %arg0, %mul3A_2 : i32
    %add3A_4 = arith.addi %mul3A_3, %arg1 : i32
    %mul3A_5 = arith.constant 80 : i32
    %mul3A_6 = arith.muli %add3A_4, %mul3A_5 : i32
    "tpu.region"() ({
      %run_scoped3A = tpu.sem_alloc : memref<!tpu.dma_semaphore, #tpu.memory_space<semaphore_mem>>
      %dma_start3A = arith.constant 0 : i32
      %dma_start3A_12 = tpu.memref_slice %arg2[%mul3A_6, %dma_start3A] : memref<2560x128xi32, #tpu.memory_space<hbm>> -> memref<80x128xi32, #tpu.memory_space<hbm>>
      %dma_start3A_13 = arith.constant 0 : i32
      %dma_start3A_14 = tpu.memref_slice %arg2[%mul3A_6, %dma_start3A_13] : memref<2560x128xi32, #tpu.memory_space<hbm>> -> memref<80x128xi32, #tpu.memory_space<hbm>>
      tpu.enqueue_dma source(%dma_start3A_14 : memref<80x128xi32, #tpu.memory_space<hbm>>) target(%arg5 : memref<80x128xi32, #tpu.memory_space<vmem>>) target_semaphore(%run_scoped3A : memref<!tpu.dma_semaphore, #tpu.memory_space<semaphore_mem>>)
      %dma_wait3A = arith.constant 0 : i32
      %dma_wait3A_15 = tpu.memref_slice %arg2[%mul3A_6, %dma_wait3A] : memref<2560x128xi32, #tpu.memory_space<hbm>> -> memref<80x128xi32, #tpu.memory_space<hbm>>
      %dma_wait3A_16 = arith.constant 0 : i32
      %dma_wait3A_17 = tpu.memref_slice %arg2[%mul3A_6, %dma_wait3A_16] : memref<2560x128xi32, #tpu.memory_space<hbm>> -> memref<80x128xi32, #tpu.memory_space<hbm>>
      tpu.wait_dma2 semaphore(%run_scoped3A : memref<!tpu.dma_semaphore, #tpu.memory_space<semaphore_mem>>) src(%dma_wait3A_17 : memref<80x128xi32, #tpu.memory_space<hbm>>) dst(%arg5 : memref<80x128xi32, #tpu.memory_space<vmem>>)
      tpu.yield
    }) : () -> ()
    %scan3A = arith.constant 0 : i32
    %scan3A_7 = arith.constant 0 : i32
    %scan3A_8 = arith.constant 80 : i32
    %scan3A_9 = arith.addi %scan3A_7, %scan3A_8 : i32
    %scan3A_10 = arith.constant 1 : i32
    scf.for %scan3A_12 = %scan3A_7 to %scan3A_9 step %scan3A_10  : i32 {
      %get3A = arith.index_cast %scan3A_12 : i32 to index
      %get3A_13 = arith.constant 0 : index
      %get3A_14 = tpu.vector_load %arg5[%get3A, %get3A_13] {strides = array<i32>} : memref<80x128xi32, #tpu.memory_space<vmem>>, vector<16xi32>,
      tpu.vector_store_idx %arg6[%get3A_14], %broadcast_in_dim3A_1 {add = true} : memref<10240xf32, #tpu.memory_space<vmem>>[vector<16xi32>], vector<16xf32>,
      %get3A_15 = arith.index_cast %scan3A_12 : i32 to index
      %get3A_16 = arith.constant 16 : index
      %get3A_17 = tpu.vector_load %arg5[%get3A_15, %get3A_16] {strides = array<i32>} : memref<80x128xi32, #tpu.memory_space<vmem>>, vector<16xi32>,
      tpu.vector_store_idx %arg6[%get3A_17], %broadcast_in_dim3A_1 {add = true} : memref<10240xf32, #tpu.memory_space<vmem>>[vector<16xi32>], vector<16xf32>,
      %get3A_18 = arith.index_cast %scan3A_12 : i32 to index
      %get3A_19 = arith.constant 32 : index
      %get3A_20 = tpu.vector_load %arg5[%get3A_18, %get3A_19] {strides = array<i32>} : memref<80x128xi32, #tpu.memory_space<vmem>>, vector<16xi32>,
      tpu.vector_store_idx %arg6[%get3A_20], %broadcast_in_dim3A_1 {add = true} : memref<10240xf32, #tpu.memory_space<vmem>>[vector<16xi32>], vector<16xf32>,
      %get3A_21 = arith.index_cast %scan3A_12 : i32 to index
      %get3A_22 = arith.constant 48 : index
      %get3A_23 = tpu.vector_load %arg5[%get3A_21, %get3A_22] {strides = array<i32>} : memref<80x128xi32, #tpu.memory_space<vmem>>, vector<16xi32>,
      tpu.vector_store_idx %arg6[%get3A_23], %broadcast_in_dim3A_1 {add = true} : memref<10240xf32, #tpu.memory_space<vmem>>[vector<16xi32>], vector<16xf32>,
      %get3A_24 = arith.index_cast %scan3A_12 : i32 to index
      %get3A_25 = arith.constant 64 : index
      %get3A_26 = tpu.vector_load %arg5[%get3A_24, %get3A_25] {strides = array<i32>} : memref<80x128xi32, #tpu.memory_space<vmem>>, vector<16xi32>,
      tpu.vector_store_idx %arg6[%get3A_26], %broadcast_in_dim3A_1 {add = true} : memref<10240xf32, #tpu.memory_space<vmem>>[vector<16xi32>], vector<16xf32>,
      %get3A_27 = arith.index_cast %scan3A_12 : i32 to index
      %get3A_28 = arith.constant 80 : index
      %get3A_29 = tpu.vector_load %arg5[%get3A_27, %get3A_28] {strides = array<i32>} : memref<80x128xi32, #tpu.memory_space<vmem>>, vector<16xi32>,
      tpu.vector_store_idx %arg6[%get3A_29], %broadcast_in_dim3A_1 {add = true} : memref<10240xf32, #tpu.memory_space<vmem>>[vector<16xi32>], vector<16xf32>,
      %get3A_30 = arith.index_cast %scan3A_12 : i32 to index
      %get3A_31 = arith.constant 96 : index
      %get3A_32 = tpu.vector_load %arg5[%get3A_30, %get3A_31] {strides = array<i32>} : memref<80x128xi32, #tpu.memory_space<vmem>>, vector<16xi32>,
      tpu.vector_store_idx %arg6[%get3A_32], %broadcast_in_dim3A_1 {add = true} : memref<10240xf32, #tpu.memory_space<vmem>>[vector<16xi32>], vector<16xf32>,
      %get3A_33 = arith.index_cast %scan3A_12 : i32 to index
      %get3A_34 = arith.constant 112 : index
      %get3A_35 = tpu.vector_load %arg5[%get3A_33, %get3A_34] {strides = array<i32>} : memref<80x128xi32, #tpu.memory_space<vmem>>, vector<16xi32>,
      tpu.vector_store_idx %arg6[%get3A_35], %broadcast_in_dim3A_1 {add = true} : memref<10240xf32, #tpu.memory_space<vmem>>[vector<16xi32>], vector<16xf32>,
    }
    %scan3A_11 = arith.constant 80 : i32
    "tpu.region"() ({
      %run_scoped3A = tpu.sem_alloc : memref<!tpu.dma_semaphore, #tpu.memory_space<semaphore_mem>>
      %dma_start3A = arith.constant 0 : i32
      %dma_start3A_12 = tpu.memref_slice %arg4[%add3A, %dma_start3A] : memref<32x10240xf32, #tpu.memory_space<hbm>> -> memref<1x10240xf32, #tpu.memory_space<hbm>>
      %dma_start3A_13 = tpu.memref_squeeze %dma_start3A_12 : memref<1x10240xf32, #tpu.memory_space<hbm>> -> memref<10240xf32, #tpu.memory_space<hbm>>
      %dma_start3A_14 = arith.constant 0 : i32
      %dma_start3A_15 = tpu.memref_slice %arg4[%add3A, %dma_start3A_14] : memref<32x10240xf32, #tpu.memory_space<hbm>> -> memref<1x10240xf32, #tpu.memory_space<hbm>>
      %dma_start3A_16 = tpu.memref_squeeze %dma_start3A_15 : memref<1x10240xf32, #tpu.memory_space<hbm>> -> memref<10240xf32, #tpu.memory_space<hbm>>
      tpu.enqueue_dma source(%arg6 : memref<10240xf32, #tpu.memory_space<vmem>>) target(%dma_start3A_16 : memref<10240xf32, #tpu.memory_space<hbm>>) target_semaphore(%run_scoped3A : memref<!tpu.dma_semaphore, #tpu.memory_space<semaphore_mem>>)
      %dma_wait3A = arith.constant 0 : i32
      %dma_wait3A_17 = tpu.memref_slice %arg4[%add3A, %dma_wait3A] : memref<32x10240xf32, #tpu.memory_space<hbm>> -> memref<1x10240xf32, #tpu.memory_space<hbm>>
      %dma_wait3A_18 = tpu.memref_squeeze %dma_wait3A_17 : memref<1x10240xf32, #tpu.memory_space<hbm>> -> memref<10240xf32, #tpu.memory_space<hbm>>
      %dma_wait3A_19 = arith.constant 0 : i32
      %dma_wait3A_20 = tpu.memref_slice %arg4[%add3A, %dma_wait3A_19] : memref<32x10240xf32, #tpu.memory_space<hbm>> -> memref<1x10240xf32, #tpu.memory_space<hbm>>
      %dma_wait3A_21 = tpu.memref_squeeze %dma_wait3A_20 : memref<1x10240xf32, #tpu.memory_space<hbm>> -> memref<10240xf32, #tpu.memory_space<hbm>>
      tpu.wait_dma2 semaphore(%run_scoped3A : memref<!tpu.dma_semaphore, #tpu.memory_space<semaphore_mem>>) src(%arg6 : memref<10240xf32, #tpu.memory_space<vmem>>) dst(%dma_wait3A_21 : memref<10240xf32, #tpu.memory_space<hbm>>)
      tpu.yield
    }) : () -> ()
    return
  }
}

#map = affine_map<(d0, d1) -> (0, 0)>
#map1 = affine_map<(d0, d1) -> (0, 0, 0)>
module attributes {stable_mosaic.version = 14 : i64} {
  func.func @_sc_aggregate(%arg0: i32, %arg1: i32, %arg2: memref<10000x128xf32, #tpu.memory_space<hbm>>, %arg3: memref<2560x128xi32, #tpu.memory_space<hbm>>, %arg4: memref<2560x128xi32, #tpu.memory_space<hbm>>, %arg5: memref<640x128xf32, #tpu.memory_space<hbm>>, %arg6: memref<2x10240x128xf32, #tpu.memory_space<hbm>>, %arg7: memref<80x128xi32, #tpu.memory_space<vmem>>, %arg8: memref<128xi32, #tpu.memory_space<vmem>>, %arg9: memref<128xi32, #tpu.memory_space<vmem>>, %arg10: memref<128x128xf32, #tpu.memory_space<vmem>>, %arg11: memref<128x128xf32, #tpu.memory_space<vmem>>, %arg12: memref<10240x128xf32, #tpu.memory_space<vmem_shared>>, %arg13: memref<!tpu.dma_semaphore, #tpu.memory_space<semaphore_mem>>, %arg14: memref<!tpu.dma_semaphore, #tpu.memory_space<semaphore_mem>>, %arg15: memref<!tpu.dma_semaphore, #tpu.memory_space<semaphore_mem>>, %arg16: memref<!tpu.dma_semaphore, #tpu.memory_space<semaphore_mem>>, %arg17: memref<!tpu.dma_semaphore, #tpu.memory_space<semaphore_mem>>) attributes {dimension_semantics = [#tpu.dimension_semantics<core_parallel>, #tpu.dimension_semantics<subcore_parallel>], iteration_bounds = array<i64: 2, 16>, scalar_prefetch = 0 : i64, scratch_operands = 11 : i64, tpu.core_type = #tpu.core_type<sc_vector_subcore>, window_params = [{transform_indices = #map}, {transform_indices = #map}, {transform_indices = #map}, {transform_indices = #map}, {transform_indices = #map1}]} {
    %mul3A = arith.constant 640 : i32
    %mul3A_0 = arith.muli %arg1, %mul3A : i32
    %dma_start3A = arith.constant 0 : i32
    %dma_start3A_1 = tpu.memref_slice %arg12[%mul3A_0, %dma_start3A] : memref<10240x128xf32, #tpu.memory_space<vmem_shared>> -> memref<640x128xf32, #tpu.memory_space<vmem_shared>>
    tpu.enqueue_dma source(%arg5 : memref<640x128xf32, #tpu.memory_space<hbm>>) target(%dma_start3A_1 : memref<640x128xf32, #tpu.memory_space<vmem_shared>>) target_semaphore(%arg17 : memref<!tpu.dma_semaphore, #tpu.memory_space<semaphore_mem>>)
    %mul3A_2 = arith.constant 16 : i32
    %mul3A_3 = arith.muli %arg0, %mul3A_2 : i32
    %add3A = arith.addi %mul3A_3, %arg1 : i32
    %mul3A_4 = arith.constant 80 : i32
    %mul3A_5 = arith.muli %add3A, %mul3A_4 : i32
    "tpu.region"() ({
      %run_scoped3A = tpu.sem_alloc : memref<!tpu.dma_semaphore, #tpu.memory_space<semaphore_mem>>
      %dma_start3A_43 = arith.constant 0 : i32
      %dma_start3A_44 = tpu.memref_slice %arg3[%mul3A_5, %dma_start3A_43] : memref<2560x128xi32, #tpu.memory_space<hbm>> -> memref<80x128xi32, #tpu.memory_space<hbm>>
      %dma_start3A_45 = arith.constant 0 : i32
      %dma_start3A_46 = tpu.memref_slice %arg3[%mul3A_5, %dma_start3A_45] : memref<2560x128xi32, #tpu.memory_space<hbm>> -> memref<80x128xi32, #tpu.memory_space<hbm>>
      tpu.enqueue_dma source(%dma_start3A_46 : memref<80x128xi32, #tpu.memory_space<hbm>>) target(%arg7 : memref<80x128xi32, #tpu.memory_space<vmem>>) target_semaphore(%run_scoped3A : memref<!tpu.dma_semaphore, #tpu.memory_space<semaphore_mem>>)
      %dma_wait3A_47 = arith.constant 0 : i32
      %dma_wait3A_48 = tpu.memref_slice %arg3[%mul3A_5, %dma_wait3A_47] : memref<2560x128xi32, #tpu.memory_space<hbm>> -> memref<80x128xi32, #tpu.memory_space<hbm>>
      %dma_wait3A_49 = arith.constant 0 : i32
      %dma_wait3A_50 = tpu.memref_slice %arg3[%mul3A_5, %dma_wait3A_49] : memref<2560x128xi32, #tpu.memory_space<hbm>> -> memref<80x128xi32, #tpu.memory_space<hbm>>
      tpu.wait_dma2 semaphore(%run_scoped3A : memref<!tpu.dma_semaphore, #tpu.memory_space<semaphore_mem>>) src(%dma_wait3A_50 : memref<80x128xi32, #tpu.memory_space<hbm>>) dst(%arg7 : memref<80x128xi32, #tpu.memory_space<vmem>>)
      tpu.yield
    }) : () -> ()
    %add3A_6 = arith.constant 0 : i32
    %add3A_7 = arith.addi %mul3A_5, %add3A_6 : i32
    %dma_start3A_8 = arith.constant 0 : i32
    %dma_start3A_9 = tpu.memref_slice %arg4[%add3A_7, %dma_start3A_8] : memref<2560x128xi32, #tpu.memory_space<hbm>> -> memref<1x128xi32, #tpu.memory_space<hbm>>
    %dma_start3A_10 = tpu.memref_squeeze %dma_start3A_9 : memref<1x128xi32, #tpu.memory_space<hbm>> -> memref<128xi32, #tpu.memory_space<hbm>>
    %dma_start3A_11 = arith.constant 0 : i32
    %dma_start3A_12 = tpu.memref_slice %arg4[%add3A_7, %dma_start3A_11] : memref<2560x128xi32, #tpu.memory_space<hbm>> -> memref<1x128xi32, #tpu.memory_space<hbm>>
    %dma_start3A_13 = tpu.memref_squeeze %dma_start3A_12 : memref<1x128xi32, #tpu.memory_space<hbm>> -> memref<128xi32, #tpu.memory_space<hbm>>
    tpu.enqueue_dma source(%dma_start3A_13 : memref<128xi32, #tpu.memory_space<hbm>>) target(%arg8 : memref<128xi32, #tpu.memory_space<vmem>>) target_semaphore(%arg15 : memref<!tpu.dma_semaphore, #tpu.memory_space<semaphore_mem>>)
    %dma_start3A_14 = arith.constant 0 : i32
    %dma_start3A_15 = arith.constant 0 : i32
    %dma_start3A_16 = tpu.memref_slice %arg7[%dma_start3A_14, %dma_start3A_15] : memref<80x128xi32, #tpu.memory_space<vmem>> -> memref<1x128xi32, #tpu.memory_space<vmem>>
    %dma_start3A_17 = tpu.memref_squeeze %dma_start3A_16 : memref<1x128xi32, #tpu.memory_space<vmem>> -> memref<128xi32, #tpu.memory_space<vmem>>
    %dma_start3A_18 = arith.constant 0 : i32
    %dma_start3A_19 = arith.constant 0 : i32
    %dma_start3A_20 = tpu.memref_slice %arg2[%dma_start3A_18, %dma_start3A_19] : memref<10000x128xf32, #tpu.memory_space<hbm>> -> memref<10000x128xf32, #tpu.memory_space<hbm>>
    tpu.enqueue_indirect_dma source(%dma_start3A_20 : memref<10000x128xf32, #tpu.memory_space<hbm>>) target(%arg10 : memref<128x128xf32, #tpu.memory_space<vmem>>) offsets(%dma_start3A_17 : memref<128xi32, #tpu.memory_space<vmem>>) semaphore(%arg13 : memref<!tpu.dma_semaphore, #tpu.memory_space<semaphore_mem>>)
    %dma_wait3A = arith.constant 0 : i32
    %dma_wait3A_21 = tpu.memref_slice %arg12[%mul3A_0, %dma_wait3A] : memref<10240x128xf32, #tpu.memory_space<vmem_shared>> -> memref<640x128xf32, #tpu.memory_space<vmem_shared>>
    tpu.wait_dma2 semaphore(%arg17 : memref<!tpu.dma_semaphore, #tpu.memory_space<semaphore_mem>>) src(%arg5 : memref<640x128xf32, #tpu.memory_space<hbm>>) dst(%dma_wait3A_21 : memref<640x128xf32, #tpu.memory_space<vmem_shared>>)
    %barrier3A = arith.constant 0 : index
    tpu.barrier barrier_id(%barrier3A)
    %scan3A = arith.constant 0 : i32
    %scan3A_22 = arith.constant 0 : i32
    %scan3A_23 = arith.constant 40 : i32
    %scan3A_24 = arith.addi %scan3A_22, %scan3A_23 : i32
    %scan3A_25 = arith.constant 1 : i32
    scf.for %scan3A_43 = %scan3A_22 to %scan3A_24 step %scan3A_25  : i32 {
      %mul3A_44 = arith.constant 2 : i32
      %mul3A_45 = arith.muli %scan3A_43, %mul3A_44 : i32
      %add3A_46 = arith.constant 0 : i32
      %add3A_47 = arith.addi %mul3A_45, %add3A_46 : i32
      %add3A_48 = arith.constant 1 : i32
      %add3A_49 = arith.addi %add3A_47, %add3A_48 : i32
      %min3A = arith.constant 79 : i32
      %min3A_50 = arith.minsi %add3A_49, %min3A : i32
      %add3A_51 = arith.addi %mul3A_5, %min3A_50 : i32
      %dma_start3A_52 = arith.constant 0 : i32
      %dma_start3A_53 = tpu.memref_slice %arg4[%add3A_51, %dma_start3A_52] : memref<2560x128xi32, #tpu.memory_space<hbm>> -> memref<1x128xi32, #tpu.memory_space<hbm>>
      %dma_start3A_54 = tpu.memref_squeeze %dma_start3A_53 : memref<1x128xi32, #tpu.memory_space<hbm>> -> memref<128xi32, #tpu.memory_space<hbm>>
      %dma_start3A_55 = arith.constant 0 : i32
      %dma_start3A_56 = tpu.memref_slice %arg4[%add3A_51, %dma_start3A_55] : memref<2560x128xi32, #tpu.memory_space<hbm>> -> memref<1x128xi32, #tpu.memory_space<hbm>>
      %dma_start3A_57 = tpu.memref_squeeze %dma_start3A_56 : memref<1x128xi32, #tpu.memory_space<hbm>> -> memref<128xi32, #tpu.memory_space<hbm>>
      tpu.enqueue_dma source(%dma_start3A_57 : memref<128xi32, #tpu.memory_space<hbm>>) target(%arg9 : memref<128xi32, #tpu.memory_space<vmem>>) target_semaphore(%arg16 : memref<!tpu.dma_semaphore, #tpu.memory_space<semaphore_mem>>)
      %dma_start3A_58 = arith.constant 0 : i32
      %dma_start3A_59 = tpu.memref_slice %arg7[%min3A_50, %dma_start3A_58] : memref<80x128xi32, #tpu.memory_space<vmem>> -> memref<1x128xi32, #tpu.memory_space<vmem>>
      %dma_start3A_60 = tpu.memref_squeeze %dma_start3A_59 : memref<1x128xi32, #tpu.memory_space<vmem>> -> memref<128xi32, #tpu.memory_space<vmem>>
      %dma_start3A_61 = arith.constant 0 : i32
      %dma_start3A_62 = arith.constant 0 : i32
      %dma_start3A_63 = tpu.memref_slice %arg2[%dma_start3A_61, %dma_start3A_62] : memref<10000x128xf32, #tpu.memory_space<hbm>> -> memref<10000x128xf32, #tpu.memory_space<hbm>>
      tpu.enqueue_indirect_dma source(%dma_start3A_63 : memref<10000x128xf32, #tpu.memory_space<hbm>>) target(%arg11 : memref<128x128xf32, #tpu.memory_space<vmem>>) offsets(%dma_start3A_60 : memref<128xi32, #tpu.memory_space<vmem>>) semaphore(%arg14 : memref<!tpu.dma_semaphore, #tpu.memory_space<semaphore_mem>>)
      %add3A_64 = arith.addi %mul3A_5, %add3A_47 : i32
      %dma_wait3A_65 = arith.constant 0 : i32
      %dma_wait3A_66 = tpu.memref_slice %arg4[%add3A_64, %dma_wait3A_65] : memref<2560x128xi32, #tpu.memory_space<hbm>> -> memref<1x128xi32, #tpu.memory_space<hbm>>
      %dma_wait3A_67 = tpu.memref_squeeze %dma_wait3A_66 : memref<1x128xi32, #tpu.memory_space<hbm>> -> memref<128xi32, #tpu.memory_space<hbm>>
      %dma_wait3A_68 = arith.constant 0 : i32
      %dma_wait3A_69 = tpu.memref_slice %arg4[%add3A_64, %dma_wait3A_68] : memref<2560x128xi32, #tpu.memory_space<hbm>> -> memref<1x128xi32, #tpu.memory_space<hbm>>
      %dma_wait3A_70 = tpu.memref_squeeze %dma_wait3A_69 : memref<1x128xi32, #tpu.memory_space<hbm>> -> memref<128xi32, #tpu.memory_space<hbm>>
      tpu.wait_dma2 semaphore(%arg15 : memref<!tpu.dma_semaphore, #tpu.memory_space<semaphore_mem>>) src(%dma_wait3A_70 : memref<128xi32, #tpu.memory_space<hbm>>) dst(%arg8 : memref<128xi32, #tpu.memory_space<vmem>>)
      %dma_wait3A_71 = arith.constant 0 : i32
      %dma_wait3A_72 = tpu.memref_slice %arg7[%add3A_47, %dma_wait3A_71] : memref<80x128xi32, #tpu.memory_space<vmem>> -> memref<1x128xi32, #tpu.memory_space<vmem>>
      %dma_wait3A_73 = tpu.memref_squeeze %dma_wait3A_72 : memref<1x128xi32, #tpu.memory_space<vmem>> -> memref<128xi32, #tpu.memory_space<vmem>>
      %dma_wait3A_74 = arith.constant 0 : i32
      %dma_wait3A_75 = arith.constant 0 : i32
      %dma_wait3A_76 = tpu.memref_slice %arg2[%dma_wait3A_74, %dma_wait3A_75] : memref<10000x128xf32, #tpu.memory_space<hbm>> -> memref<10000x128xf32, #tpu.memory_space<hbm>>
      tpu.wait_indirect_dma semaphore(%arg13 : memref<!tpu.dma_semaphore, #tpu.memory_space<semaphore_mem>>) src(%dma_wait3A_76 : memref<10000x128xf32, #tpu.memory_space<hbm>>) dst(%arg10 : memref<128x128xf32, #tpu.memory_space<vmem>>)
      "tpu.region"() ({
        %run_scoped3A = tpu.sem_alloc : memref<!tpu.dma_semaphore, #tpu.memory_space<semaphore_mem>>
        %dma_start3A_111 = arith.constant 0 : i32
        %dma_start3A_112 = arith.constant 0 : i32
        %dma_start3A_113 = tpu.memref_slice %arg12[%dma_start3A_111, %dma_start3A_112] : memref<10240x128xf32, #tpu.memory_space<vmem_shared>> -> memref<10240x128xf32, #tpu.memory_space<vmem_shared>>
        tpu.enqueue_indirect_dma source(%arg10 : memref<128x128xf32, #tpu.memory_space<vmem>>) target(%dma_start3A_113 : memref<10240x128xf32, #tpu.memory_space<vmem_shared>>) offsets(%arg8 : memref<128xi32, #tpu.memory_space<vmem>>) semaphore(%run_scoped3A : memref<!tpu.dma_semaphore, #tpu.memory_space<semaphore_mem>>) {add = true}
        %dma_wait3A_114 = arith.constant 0 : i32
        %dma_wait3A_115 = arith.constant 0 : i32
        %dma_wait3A_116 = tpu.memref_slice %arg12[%dma_wait3A_114, %dma_wait3A_115] : memref<10240x128xf32, #tpu.memory_space<vmem_shared>> -> memref<10240x128xf32, #tpu.memory_space<vmem_shared>>
        tpu.wait_indirect_dma semaphore(%run_scoped3A : memref<!tpu.dma_semaphore, #tpu.memory_space<semaphore_mem>>) src(%arg10 : memref<128x128xf32, #tpu.memory_space<vmem>>) dst(%dma_wait3A_116 : memref<10240x128xf32, #tpu.memory_space<vmem_shared>>)
        tpu.yield
      }) : () -> ()
      %mul3A_77 = arith.constant 2 : i32
      %mul3A_78 = arith.muli %scan3A_43, %mul3A_77 : i32
      %add3A_79 = arith.constant 1 : i32
      %add3A_80 = arith.addi %mul3A_78, %add3A_79 : i32
      %add3A_81 = arith.constant 1 : i32
      %add3A_82 = arith.addi %add3A_80, %add3A_81 : i32
      %min3A_83 = arith.constant 79 : i32
      %min3A_84 = arith.minsi %add3A_82, %min3A_83 : i32
      %add3A_85 = arith.addi %mul3A_5, %min3A_84 : i32
      %dma_start3A_86 = arith.constant 0 : i32
      %dma_start3A_87 = tpu.memref_slice %arg4[%add3A_85, %dma_start3A_86] : memref<2560x128xi32, #tpu.memory_space<hbm>> -> memref<1x128xi32, #tpu.memory_space<hbm>>
      %dma_start3A_88 = tpu.memref_squeeze %dma_start3A_87 : memref<1x128xi32, #tpu.memory_space<hbm>> -> memref<128xi32, #tpu.memory_space<hbm>>
      %dma_start3A_89 = arith.constant 0 : i32
      %dma_start3A_90 = tpu.memref_slice %arg4[%add3A_85, %dma_start3A_89] : memref<2560x128xi32, #tpu.memory_space<hbm>> -> memref<1x128xi32, #tpu.memory_space<hbm>>
      %dma_start3A_91 = tpu.memref_squeeze %dma_start3A_90 : memref<1x128xi32, #tpu.memory_space<hbm>> -> memref<128xi32, #tpu.memory_space<hbm>>
      tpu.enqueue_dma source(%dma_start3A_91 : memref<128xi32, #tpu.memory_space<hbm>>) target(%arg8 : memref<128xi32, #tpu.memory_space<vmem>>) target_semaphore(%arg15 : memref<!tpu.dma_semaphore, #tpu.memory_space<semaphore_mem>>)
      %dma_start3A_92 = arith.constant 0 : i32
      %dma_start3A_93 = tpu.memref_slice %arg7[%min3A_84, %dma_start3A_92] : memref<80x128xi32, #tpu.memory_space<vmem>> -> memref<1x128xi32, #tpu.memory_space<vmem>>
      %dma_start3A_94 = tpu.memref_squeeze %dma_start3A_93 : memref<1x128xi32, #tpu.memory_space<vmem>> -> memref<128xi32, #tpu.memory_space<vmem>>
      %dma_start3A_95 = arith.constant 0 : i32
      %dma_start3A_96 = arith.constant 0 : i32
      %dma_start3A_97 = tpu.memref_slice %arg2[%dma_start3A_95, %dma_start3A_96] : memref<10000x128xf32, #tpu.memory_space<hbm>> -> memref<10000x128xf32, #tpu.memory_space<hbm>>
      tpu.enqueue_indirect_dma source(%dma_start3A_97 : memref<10000x128xf32, #tpu.memory_space<hbm>>) target(%arg10 : memref<128x128xf32, #tpu.memory_space<vmem>>) offsets(%dma_start3A_94 : memref<128xi32, #tpu.memory_space<vmem>>) semaphore(%arg13 : memref<!tpu.dma_semaphore, #tpu.memory_space<semaphore_mem>>)
      %add3A_98 = arith.addi %mul3A_5, %add3A_80 : i32
      %dma_wait3A_99 = arith.constant 0 : i32
      %dma_wait3A_100 = tpu.memref_slice %arg4[%add3A_98, %dma_wait3A_99] : memref<2560x128xi32, #tpu.memory_space<hbm>> -> memref<1x128xi32, #tpu.memory_space<hbm>>
      %dma_wait3A_101 = tpu.memref_squeeze %dma_wait3A_100 : memref<1x128xi32, #tpu.memory_space<hbm>> -> memref<128xi32, #tpu.memory_space<hbm>>
      %dma_wait3A_102 = arith.constant 0 : i32
      %dma_wait3A_103 = tpu.memref_slice %arg4[%add3A_98, %dma_wait3A_102] : memref<2560x128xi32, #tpu.memory_space<hbm>> -> memref<1x128xi32, #tpu.memory_space<hbm>>
      %dma_wait3A_104 = tpu.memref_squeeze %dma_wait3A_103 : memref<1x128xi32, #tpu.memory_space<hbm>> -> memref<128xi32, #tpu.memory_space<hbm>>
      tpu.wait_dma2 semaphore(%arg16 : memref<!tpu.dma_semaphore, #tpu.memory_space<semaphore_mem>>) src(%dma_wait3A_104 : memref<128xi32, #tpu.memory_space<hbm>>) dst(%arg9 : memref<128xi32, #tpu.memory_space<vmem>>)
      %dma_wait3A_105 = arith.constant 0 : i32
      %dma_wait3A_106 = tpu.memref_slice %arg7[%add3A_80, %dma_wait3A_105] : memref<80x128xi32, #tpu.memory_space<vmem>> -> memref<1x128xi32, #tpu.memory_space<vmem>>
      %dma_wait3A_107 = tpu.memref_squeeze %dma_wait3A_106 : memref<1x128xi32, #tpu.memory_space<vmem>> -> memref<128xi32, #tpu.memory_space<vmem>>
      %dma_wait3A_108 = arith.constant 0 : i32
      %dma_wait3A_109 = arith.constant 0 : i32
      %dma_wait3A_110 = tpu.memref_slice %arg2[%dma_wait3A_108, %dma_wait3A_109] : memref<10000x128xf32, #tpu.memory_space<hbm>> -> memref<10000x128xf32, #tpu.memory_space<hbm>>
      tpu.wait_indirect_dma semaphore(%arg14 : memref<!tpu.dma_semaphore, #tpu.memory_space<semaphore_mem>>) src(%dma_wait3A_110 : memref<10000x128xf32, #tpu.memory_space<hbm>>) dst(%arg11 : memref<128x128xf32, #tpu.memory_space<vmem>>)
      "tpu.region"() ({
        %run_scoped3A = tpu.sem_alloc : memref<!tpu.dma_semaphore, #tpu.memory_space<semaphore_mem>>
        %dma_start3A_111 = arith.constant 0 : i32
        %dma_start3A_112 = arith.constant 0 : i32
        %dma_start3A_113 = tpu.memref_slice %arg12[%dma_start3A_111, %dma_start3A_112] : memref<10240x128xf32, #tpu.memory_space<vmem_shared>> -> memref<10240x128xf32, #tpu.memory_space<vmem_shared>>
        tpu.enqueue_indirect_dma source(%arg11 : memref<128x128xf32, #tpu.memory_space<vmem>>) target(%dma_start3A_113 : memref<10240x128xf32, #tpu.memory_space<vmem_shared>>) offsets(%arg9 : memref<128xi32, #tpu.memory_space<vmem>>) semaphore(%run_scoped3A : memref<!tpu.dma_semaphore, #tpu.memory_space<semaphore_mem>>) {add = true}
        %dma_wait3A_114 = arith.constant 0 : i32
        %dma_wait3A_115 = arith.constant 0 : i32
        %dma_wait3A_116 = tpu.memref_slice %arg12[%dma_wait3A_114, %dma_wait3A_115] : memref<10240x128xf32, #tpu.memory_space<vmem_shared>> -> memref<10240x128xf32, #tpu.memory_space<vmem_shared>>
        tpu.wait_indirect_dma semaphore(%run_scoped3A : memref<!tpu.dma_semaphore, #tpu.memory_space<semaphore_mem>>) src(%arg11 : memref<128x128xf32, #tpu.memory_space<vmem>>) dst(%dma_wait3A_116 : memref<10240x128xf32, #tpu.memory_space<vmem_shared>>)
        tpu.yield
      }) : () -> ()
    }
    %scan3A_26 = arith.constant 40 : i32
    %add3A_27 = arith.constant 79 : i32
    %add3A_28 = arith.addi %mul3A_5, %add3A_27 : i32
    %dma_wait3A_29 = arith.constant 0 : i32
    %dma_wait3A_30 = tpu.memref_slice %arg4[%add3A_28, %dma_wait3A_29] : memref<2560x128xi32, #tpu.memory_space<hbm>> -> memref<1x128xi32, #tpu.memory_space<hbm>>
    %dma_wait3A_31 = tpu.memref_squeeze %dma_wait3A_30 : memref<1x128xi32, #tpu.memory_space<hbm>> -> memref<128xi32, #tpu.memory_space<hbm>>
    %dma_wait3A_32 = arith.constant 0 : i32
    %dma_wait3A_33 = tpu.memref_slice %arg4[%add3A_28, %dma_wait3A_32] : memref<2560x128xi32, #tpu.memory_space<hbm>> -> memref<1x128xi32, #tpu.memory_space<hbm>>
    %dma_wait3A_34 = tpu.memref_squeeze %dma_wait3A_33 : memref<1x128xi32, #tpu.memory_space<hbm>> -> memref<128xi32, #tpu.memory_space<hbm>>
    tpu.wait_dma2 semaphore(%arg15 : memref<!tpu.dma_semaphore, #tpu.memory_space<semaphore_mem>>) src(%dma_wait3A_34 : memref<128xi32, #tpu.memory_space<hbm>>) dst(%arg8 : memref<128xi32, #tpu.memory_space<vmem>>)
    %dma_wait3A_35 = arith.constant 79 : i32
    %dma_wait3A_36 = arith.constant 0 : i32
    %dma_wait3A_37 = tpu.memref_slice %arg7[%dma_wait3A_35, %dma_wait3A_36] : memref<80x128xi32, #tpu.memory_space<vmem>> -> memref<1x128xi32, #tpu.memory_space<vmem>>
    %dma_wait3A_38 = tpu.memref_squeeze %dma_wait3A_37 : memref<1x128xi32, #tpu.memory_space<vmem>> -> memref<128xi32, #tpu.memory_space<vmem>>
    %dma_wait3A_39 = arith.constant 0 : i32
    %dma_wait3A_40 = arith.constant 0 : i32
    %dma_wait3A_41 = tpu.memref_slice %arg2[%dma_wait3A_39, %dma_wait3A_40] : memref<10000x128xf32, #tpu.memory_space<hbm>> -> memref<10000x128xf32, #tpu.memory_space<hbm>>
    tpu.wait_indirect_dma semaphore(%arg13 : memref<!tpu.dma_semaphore, #tpu.memory_space<semaphore_mem>>) src(%dma_wait3A_41 : memref<10000x128xf32, #tpu.memory_space<hbm>>) dst(%arg10 : memref<128x128xf32, #tpu.memory_space<vmem>>)
    %barrier3A_42 = arith.constant 0 : index
    tpu.barrier barrier_id(%barrier3A_42)
    "tpu.region"() ({
      %run_scoped3A = tpu.sem_alloc : memref<!tpu.dma_semaphore, #tpu.memory_space<semaphore_mem>>
      %dma_start3A_43 = arith.constant 0 : i32
      %dma_start3A_44 = tpu.memref_slice %arg6[%arg0, %mul3A_0, %dma_start3A_43] : memref<2x10240x128xf32, #tpu.memory_space<hbm>> -> memref<1x640x128xf32, #tpu.memory_space<hbm>>
      %dma_start3A_45 = tpu.memref_squeeze %dma_start3A_44 : memref<1x640x128xf32, #tpu.memory_space<hbm>> -> memref<640x128xf32, #tpu.memory_space<hbm>>
      %dma_start3A_46 = arith.constant 0 : i32
      %dma_start3A_47 = tpu.memref_slice %arg12[%mul3A_0, %dma_start3A_46] : memref<10240x128xf32, #tpu.memory_space<vmem_shared>> -> memref<640x128xf32, #tpu.memory_space<vmem_shared>>
      tpu.enqueue_dma source(%dma_start3A_47 : memref<640x128xf32, #tpu.memory_space<vmem_shared>>) target(%dma_start3A_45 : memref<640x128xf32, #tpu.memory_space<hbm>>) target_semaphore(%run_scoped3A : memref<!tpu.dma_semaphore, #tpu.memory_space<semaphore_mem>>)
      %dma_wait3A_48 = arith.constant 0 : i32
      %dma_wait3A_49 = tpu.memref_slice %arg6[%arg0, %mul3A_0, %dma_wait3A_48] : memref<2x10240x128xf32, #tpu.memory_space<hbm>> -> memref<1x640x128xf32, #tpu.memory_space<hbm>>
      %dma_wait3A_50 = tpu.memref_squeeze %dma_wait3A_49 : memref<1x640x128xf32, #tpu.memory_space<hbm>> -> memref<640x128xf32, #tpu.memory_space<hbm>>
      %dma_wait3A_51 = arith.constant 0 : i32
      %dma_wait3A_52 = tpu.memref_slice %arg12[%mul3A_0, %dma_wait3A_51] : memref<10240x128xf32, #tpu.memory_space<vmem_shared>> -> memref<640x128xf32, #tpu.memory_space<vmem_shared>>
      tpu.wait_dma2 semaphore(%run_scoped3A : memref<!tpu.dma_semaphore, #tpu.memory_space<semaphore_mem>>) src(%dma_wait3A_52 : memref<640x128xf32, #tpu.memory_space<vmem_shared>>) dst(%dma_wait3A_50 : memref<640x128xf32, #tpu.memory_space<hbm>>)
      tpu.yield
    }) : () -> ()
    return
  }
}

#map = affine_map<(d0, d1) -> (0, 0)>
#map1 = affine_map<(d0, d1) -> (0, 0, 0)>
module attributes {stable_mosaic.version = 14 : i64} {
  func.func @_sc_aggregate(%arg0: i32, %arg1: i32, %arg2: memref<10000x128xf32, #tpu.memory_space<hbm>>, %arg3: memref<2560x128xi32, #tpu.memory_space<hbm>>, %arg4: memref<2560x128xi32, #tpu.memory_space<hbm>>, %arg5: memref<640x128xf32, #tpu.memory_space<hbm>>, %arg6: memref<2x10240x128xf32, #tpu.memory_space<hbm>>, %arg7: memref<80x128xi32, #tpu.memory_space<vmem>>, %arg8: memref<128xi32, #tpu.memory_space<vmem>>, %arg9: memref<128xi32, #tpu.memory_space<vmem>>, %arg10: memref<128x128xf32, #tpu.memory_space<vmem>>, %arg11: memref<128x128xf32, #tpu.memory_space<vmem>>, %arg12: memref<10240x128xf32, #tpu.memory_space<vmem_shared>>, %arg13: memref<!tpu.dma_semaphore, #tpu.memory_space<semaphore_mem>>, %arg14: memref<!tpu.dma_semaphore, #tpu.memory_space<semaphore_mem>>, %arg15: memref<!tpu.dma_semaphore, #tpu.memory_space<semaphore_mem>>, %arg16: memref<!tpu.dma_semaphore, #tpu.memory_space<semaphore_mem>>, %arg17: memref<!tpu.dma_semaphore, #tpu.memory_space<semaphore_mem>>) attributes {dimension_semantics = [#tpu.dimension_semantics<core_parallel>, #tpu.dimension_semantics<subcore_parallel>], iteration_bounds = array<i64: 2, 16>, scalar_prefetch = 0 : i64, scratch_operands = 11 : i64, tpu.core_type = #tpu.core_type<sc_vector_subcore>, window_params = [{transform_indices = #map}, {transform_indices = #map}, {transform_indices = #map}, {transform_indices = #map}, {transform_indices = #map1}]} {
    %mul3A = arith.constant 640 : i32
    %mul3A_0 = arith.muli %arg1, %mul3A : i32
    %dma_start3A = arith.constant 0 : i32
    %dma_start3A_1 = tpu.memref_slice %arg12[%mul3A_0, %dma_start3A] : memref<10240x128xf32, #tpu.memory_space<vmem_shared>> -> memref<640x128xf32, #tpu.memory_space<vmem_shared>>
    tpu.enqueue_dma source(%arg5 : memref<640x128xf32, #tpu.memory_space<hbm>>) target(%dma_start3A_1 : memref<640x128xf32, #tpu.memory_space<vmem_shared>>) target_semaphore(%arg17 : memref<!tpu.dma_semaphore, #tpu.memory_space<semaphore_mem>>)
    %mul3A_2 = arith.constant 16 : i32
    %mul3A_3 = arith.muli %arg0, %mul3A_2 : i32
    %add3A = arith.addi %mul3A_3, %arg1 : i32
    %mul3A_4 = arith.constant 80 : i32
    %mul3A_5 = arith.muli %add3A, %mul3A_4 : i32
    "tpu.region"() ({
      %run_scoped3A = tpu.sem_alloc : memref<!tpu.dma_semaphore, #tpu.memory_space<semaphore_mem>>
      %dma_start3A_43 = arith.constant 0 : i32
      %dma_start3A_44 = tpu.memref_slice %arg3[%mul3A_5, %dma_start3A_43] : memref<2560x128xi32, #tpu.memory_space<hbm>> -> memref<80x128xi32, #tpu.memory_space<hbm>>
      %dma_start3A_45 = arith.constant 0 : i32
      %dma_start3A_46 = tpu.memref_slice %arg3[%mul3A_5, %dma_start3A_45] : memref<2560x128xi32, #tpu.memory_space<hbm>> -> memref<80x128xi32, #tpu.memory_space<hbm>>
      tpu.enqueue_dma source(%dma_start3A_46 : memref<80x128xi32, #tpu.memory_space<hbm>>) target(%arg7 : memref<80x128xi32, #tpu.memory_space<vmem>>) target_semaphore(%run_scoped3A : memref<!tpu.dma_semaphore, #tpu.memory_space<semaphore_mem>>)
      %dma_wait3A_47 = arith.constant 0 : i32
      %dma_wait3A_48 = tpu.memref_slice %arg3[%mul3A_5, %dma_wait3A_47] : memref<2560x128xi32, #tpu.memory_space<hbm>> -> memref<80x128xi32, #tpu.memory_space<hbm>>
      %dma_wait3A_49 = arith.constant 0 : i32
      %dma_wait3A_50 = tpu.memref_slice %arg3[%mul3A_5, %dma_wait3A_49] : memref<2560x128xi32, #tpu.memory_space<hbm>> -> memref<80x128xi32, #tpu.memory_space<hbm>>
      tpu.wait_dma2 semaphore(%run_scoped3A : memref<!tpu.dma_semaphore, #tpu.memory_space<semaphore_mem>>) src(%dma_wait3A_50 : memref<80x128xi32, #tpu.memory_space<hbm>>) dst(%arg7 : memref<80x128xi32, #tpu.memory_space<vmem>>)
      tpu.yield
    }) : () -> ()
    %add3A_6 = arith.constant 0 : i32
    %add3A_7 = arith.addi %mul3A_5, %add3A_6 : i32
    %dma_start3A_8 = arith.constant 0 : i32
    %dma_start3A_9 = tpu.memref_slice %arg4[%add3A_7, %dma_start3A_8] : memref<2560x128xi32, #tpu.memory_space<hbm>> -> memref<1x128xi32, #tpu.memory_space<hbm>>
    %dma_start3A_10 = tpu.memref_squeeze %dma_start3A_9 : memref<1x128xi32, #tpu.memory_space<hbm>> -> memref<128xi32, #tpu.memory_space<hbm>>
    %dma_start3A_11 = arith.constant 0 : i32
    %dma_start3A_12 = tpu.memref_slice %arg4[%add3A_7, %dma_start3A_11] : memref<2560x128xi32, #tpu.memory_space<hbm>> -> memref<1x128xi32, #tpu.memory_space<hbm>>
    %dma_start3A_13 = tpu.memref_squeeze %dma_start3A_12 : memref<1x128xi32, #tpu.memory_space<hbm>> -> memref<128xi32, #tpu.memory_space<hbm>>
    tpu.enqueue_dma source(%dma_start3A_13 : memref<128xi32, #tpu.memory_space<hbm>>) target(%arg8 : memref<128xi32, #tpu.memory_space<vmem>>) target_semaphore(%arg15 : memref<!tpu.dma_semaphore, #tpu.memory_space<semaphore_mem>>)
    %dma_start3A_14 = arith.constant 0 : i32
    %dma_start3A_15 = arith.constant 0 : i32
    %dma_start3A_16 = tpu.memref_slice %arg7[%dma_start3A_14, %dma_start3A_15] : memref<80x128xi32, #tpu.memory_space<vmem>> -> memref<1x128xi32, #tpu.memory_space<vmem>>
    %dma_start3A_17 = tpu.memref_squeeze %dma_start3A_16 : memref<1x128xi32, #tpu.memory_space<vmem>> -> memref<128xi32, #tpu.memory_space<vmem>>
    %dma_start3A_18 = arith.constant 0 : i32
    %dma_start3A_19 = arith.constant 0 : i32
    %dma_start3A_20 = tpu.memref_slice %arg2[%dma_start3A_18, %dma_start3A_19] : memref<10000x128xf32, #tpu.memory_space<hbm>> -> memref<10000x128xf32, #tpu.memory_space<hbm>>
    tpu.enqueue_indirect_dma source(%dma_start3A_20 : memref<10000x128xf32, #tpu.memory_space<hbm>>) target(%arg10 : memref<128x128xf32, #tpu.memory_space<vmem>>) offsets(%dma_start3A_17 : memref<128xi32, #tpu.memory_space<vmem>>) semaphore(%arg13 : memref<!tpu.dma_semaphore, #tpu.memory_space<semaphore_mem>>)
    %dma_wait3A = arith.constant 0 : i32
    %dma_wait3A_21 = tpu.memref_slice %arg12[%mul3A_0, %dma_wait3A] : memref<10240x128xf32, #tpu.memory_space<vmem_shared>> -> memref<640x128xf32, #tpu.memory_space<vmem_shared>>
    tpu.wait_dma2 semaphore(%arg17 : memref<!tpu.dma_semaphore, #tpu.memory_space<semaphore_mem>>) src(%arg5 : memref<640x128xf32, #tpu.memory_space<hbm>>) dst(%dma_wait3A_21 : memref<640x128xf32, #tpu.memory_space<vmem_shared>>)
    %barrier3A = arith.constant 0 : index
    tpu.barrier barrier_id(%barrier3A)
    %scan3A = arith.constant 0 : i32
    %scan3A_22 = arith.constant 0 : i32
    %scan3A_23 = arith.constant 40 : i32
    %scan3A_24 = arith.addi %scan3A_22, %scan3A_23 : i32
    %scan3A_25 = arith.constant 1 : i32
    scf.for %scan3A_43 = %scan3A_22 to %scan3A_24 step %scan3A_25  : i32 {
      %mul3A_44 = arith.constant 2 : i32
      %mul3A_45 = arith.muli %scan3A_43, %mul3A_44 : i32
      %add3A_46 = arith.constant 0 : i32
      %add3A_47 = arith.addi %mul3A_45, %add3A_46 : i32
      %add3A_48 = arith.constant 1 : i32
      %add3A_49 = arith.addi %add3A_47, %add3A_48 : i32
      %min3A = arith.constant 79 : i32
      %min3A_50 = arith.minsi %add3A_49, %min3A : i32
      %add3A_51 = arith.addi %mul3A_5, %min3A_50 : i32
      %dma_start3A_52 = arith.constant 0 : i32
      %dma_start3A_53 = tpu.memref_slice %arg4[%add3A_51, %dma_start3A_52] : memref<2560x128xi32, #tpu.memory_space<hbm>> -> memref<1x128xi32, #tpu.memory_space<hbm>>
      %dma_start3A_54 = tpu.memref_squeeze %dma_start3A_53 : memref<1x128xi32, #tpu.memory_space<hbm>> -> memref<128xi32, #tpu.memory_space<hbm>>
      %dma_start3A_55 = arith.constant 0 : i32
      %dma_start3A_56 = tpu.memref_slice %arg4[%add3A_51, %dma_start3A_55] : memref<2560x128xi32, #tpu.memory_space<hbm>> -> memref<1x128xi32, #tpu.memory_space<hbm>>
      %dma_start3A_57 = tpu.memref_squeeze %dma_start3A_56 : memref<1x128xi32, #tpu.memory_space<hbm>> -> memref<128xi32, #tpu.memory_space<hbm>>
      tpu.enqueue_dma source(%dma_start3A_57 : memref<128xi32, #tpu.memory_space<hbm>>) target(%arg9 : memref<128xi32, #tpu.memory_space<vmem>>) target_semaphore(%arg16 : memref<!tpu.dma_semaphore, #tpu.memory_space<semaphore_mem>>)
      %dma_start3A_58 = arith.constant 0 : i32
      %dma_start3A_59 = tpu.memref_slice %arg7[%min3A_50, %dma_start3A_58] : memref<80x128xi32, #tpu.memory_space<vmem>> -> memref<1x128xi32, #tpu.memory_space<vmem>>
      %dma_start3A_60 = tpu.memref_squeeze %dma_start3A_59 : memref<1x128xi32, #tpu.memory_space<vmem>> -> memref<128xi32, #tpu.memory_space<vmem>>
      %dma_start3A_61 = arith.constant 0 : i32
      %dma_start3A_62 = arith.constant 0 : i32
      %dma_start3A_63 = tpu.memref_slice %arg2[%dma_start3A_61, %dma_start3A_62] : memref<10000x128xf32, #tpu.memory_space<hbm>> -> memref<10000x128xf32, #tpu.memory_space<hbm>>
      tpu.enqueue_indirect_dma source(%dma_start3A_63 : memref<10000x128xf32, #tpu.memory_space<hbm>>) target(%arg11 : memref<128x128xf32, #tpu.memory_space<vmem>>) offsets(%dma_start3A_60 : memref<128xi32, #tpu.memory_space<vmem>>) semaphore(%arg14 : memref<!tpu.dma_semaphore, #tpu.memory_space<semaphore_mem>>)
      %add3A_64 = arith.addi %mul3A_5, %add3A_47 : i32
      %dma_wait3A_65 = arith.constant 0 : i32
      %dma_wait3A_66 = tpu.memref_slice %arg4[%add3A_64, %dma_wait3A_65] : memref<2560x128xi32, #tpu.memory_space<hbm>> -> memref<1x128xi32, #tpu.memory_space<hbm>>
      %dma_wait3A_67 = tpu.memref_squeeze %dma_wait3A_66 : memref<1x128xi32, #tpu.memory_space<hbm>> -> memref<128xi32, #tpu.memory_space<hbm>>
      %dma_wait3A_68 = arith.constant 0 : i32
      %dma_wait3A_69 = tpu.memref_slice %arg4[%add3A_64, %dma_wait3A_68] : memref<2560x128xi32, #tpu.memory_space<hbm>> -> memref<1x128xi32, #tpu.memory_space<hbm>>
      %dma_wait3A_70 = tpu.memref_squeeze %dma_wait3A_69 : memref<1x128xi32, #tpu.memory_space<hbm>> -> memref<128xi32, #tpu.memory_space<hbm>>
      tpu.wait_dma2 semaphore(%arg15 : memref<!tpu.dma_semaphore, #tpu.memory_space<semaphore_mem>>) src(%dma_wait3A_70 : memref<128xi32, #tpu.memory_space<hbm>>) dst(%arg8 : memref<128xi32, #tpu.memory_space<vmem>>)
      %dma_wait3A_71 = arith.constant 0 : i32
      %dma_wait3A_72 = tpu.memref_slice %arg7[%add3A_47, %dma_wait3A_71] : memref<80x128xi32, #tpu.memory_space<vmem>> -> memref<1x128xi32, #tpu.memory_space<vmem>>
      %dma_wait3A_73 = tpu.memref_squeeze %dma_wait3A_72 : memref<1x128xi32, #tpu.memory_space<vmem>> -> memref<128xi32, #tpu.memory_space<vmem>>
      %dma_wait3A_74 = arith.constant 0 : i32
      %dma_wait3A_75 = arith.constant 0 : i32
      %dma_wait3A_76 = tpu.memref_slice %arg2[%dma_wait3A_74, %dma_wait3A_75] : memref<10000x128xf32, #tpu.memory_space<hbm>> -> memref<10000x128xf32, #tpu.memory_space<hbm>>
      tpu.wait_indirect_dma semaphore(%arg13 : memref<!tpu.dma_semaphore, #tpu.memory_space<semaphore_mem>>) src(%dma_wait3A_76 : memref<10000x128xf32, #tpu.memory_space<hbm>>) dst(%arg10 : memref<128x128xf32, #tpu.memory_space<vmem>>)
      "tpu.region"() ({
        %run_scoped3A = tpu.sem_alloc : memref<!tpu.dma_semaphore, #tpu.memory_space<semaphore_mem>>
        %dma_start3A_111 = arith.constant 0 : i32
        %dma_start3A_112 = arith.constant 0 : i32
        %dma_start3A_113 = tpu.memref_slice %arg12[%dma_start3A_111, %dma_start3A_112] : memref<10240x128xf32, #tpu.memory_space<vmem_shared>> -> memref<10240x128xf32, #tpu.memory_space<vmem_shared>>
        tpu.enqueue_indirect_dma source(%arg10 : memref<128x128xf32, #tpu.memory_space<vmem>>) target(%dma_start3A_113 : memref<10240x128xf32, #tpu.memory_space<vmem_shared>>) offsets(%arg8 : memref<128xi32, #tpu.memory_space<vmem>>) semaphore(%run_scoped3A : memref<!tpu.dma_semaphore, #tpu.memory_space<semaphore_mem>>) {add = true}
        %dma_wait3A_114 = arith.constant 0 : i32
        %dma_wait3A_115 = arith.constant 0 : i32
        %dma_wait3A_116 = tpu.memref_slice %arg12[%dma_wait3A_114, %dma_wait3A_115] : memref<10240x128xf32, #tpu.memory_space<vmem_shared>> -> memref<10240x128xf32, #tpu.memory_space<vmem_shared>>
        tpu.wait_indirect_dma semaphore(%run_scoped3A : memref<!tpu.dma_semaphore, #tpu.memory_space<semaphore_mem>>) src(%arg10 : memref<128x128xf32, #tpu.memory_space<vmem>>) dst(%dma_wait3A_116 : memref<10240x128xf32, #tpu.memory_space<vmem_shared>>)
        tpu.yield
      }) : () -> ()
      %mul3A_77 = arith.constant 2 : i32
      %mul3A_78 = arith.muli %scan3A_43, %mul3A_77 : i32
      %add3A_79 = arith.constant 1 : i32
      %add3A_80 = arith.addi %mul3A_78, %add3A_79 : i32
      %add3A_81 = arith.constant 1 : i32
      %add3A_82 = arith.addi %add3A_80, %add3A_81 : i32
      %min3A_83 = arith.constant 79 : i32
      %min3A_84 = arith.minsi %add3A_82, %min3A_83 : i32
      %add3A_85 = arith.addi %mul3A_5, %min3A_84 : i32
      %dma_start3A_86 = arith.constant 0 : i32
      %dma_start3A_87 = tpu.memref_slice %arg4[%add3A_85, %dma_start3A_86] : memref<2560x128xi32, #tpu.memory_space<hbm>> -> memref<1x128xi32, #tpu.memory_space<hbm>>
      %dma_start3A_88 = tpu.memref_squeeze %dma_start3A_87 : memref<1x128xi32, #tpu.memory_space<hbm>> -> memref<128xi32, #tpu.memory_space<hbm>>
      %dma_start3A_89 = arith.constant 0 : i32
      %dma_start3A_90 = tpu.memref_slice %arg4[%add3A_85, %dma_start3A_89] : memref<2560x128xi32, #tpu.memory_space<hbm>> -> memref<1x128xi32, #tpu.memory_space<hbm>>
      %dma_start3A_91 = tpu.memref_squeeze %dma_start3A_90 : memref<1x128xi32, #tpu.memory_space<hbm>> -> memref<128xi32, #tpu.memory_space<hbm>>
      tpu.enqueue_dma source(%dma_start3A_91 : memref<128xi32, #tpu.memory_space<hbm>>) target(%arg8 : memref<128xi32, #tpu.memory_space<vmem>>) target_semaphore(%arg15 : memref<!tpu.dma_semaphore, #tpu.memory_space<semaphore_mem>>)
      %dma_start3A_92 = arith.constant 0 : i32
      %dma_start3A_93 = tpu.memref_slice %arg7[%min3A_84, %dma_start3A_92] : memref<80x128xi32, #tpu.memory_space<vmem>> -> memref<1x128xi32, #tpu.memory_space<vmem>>
      %dma_start3A_94 = tpu.memref_squeeze %dma_start3A_93 : memref<1x128xi32, #tpu.memory_space<vmem>> -> memref<128xi32, #tpu.memory_space<vmem>>
      %dma_start3A_95 = arith.constant 0 : i32
      %dma_start3A_96 = arith.constant 0 : i32
      %dma_start3A_97 = tpu.memref_slice %arg2[%dma_start3A_95, %dma_start3A_96] : memref<10000x128xf32, #tpu.memory_space<hbm>> -> memref<10000x128xf32, #tpu.memory_space<hbm>>
      tpu.enqueue_indirect_dma source(%dma_start3A_97 : memref<10000x128xf32, #tpu.memory_space<hbm>>) target(%arg10 : memref<128x128xf32, #tpu.memory_space<vmem>>) offsets(%dma_start3A_94 : memref<128xi32, #tpu.memory_space<vmem>>) semaphore(%arg13 : memref<!tpu.dma_semaphore, #tpu.memory_space<semaphore_mem>>)
      %add3A_98 = arith.addi %mul3A_5, %add3A_80 : i32
      %dma_wait3A_99 = arith.constant 0 : i32
      %dma_wait3A_100 = tpu.memref_slice %arg4[%add3A_98, %dma_wait3A_99] : memref<2560x128xi32, #tpu.memory_space<hbm>> -> memref<1x128xi32, #tpu.memory_space<hbm>>
      %dma_wait3A_101 = tpu.memref_squeeze %dma_wait3A_100 : memref<1x128xi32, #tpu.memory_space<hbm>> -> memref<128xi32, #tpu.memory_space<hbm>>
      %dma_wait3A_102 = arith.constant 0 : i32
      %dma_wait3A_103 = tpu.memref_slice %arg4[%add3A_98, %dma_wait3A_102] : memref<2560x128xi32, #tpu.memory_space<hbm>> -> memref<1x128xi32, #tpu.memory_space<hbm>>
      %dma_wait3A_104 = tpu.memref_squeeze %dma_wait3A_103 : memref<1x128xi32, #tpu.memory_space<hbm>> -> memref<128xi32, #tpu.memory_space<hbm>>
      tpu.wait_dma2 semaphore(%arg16 : memref<!tpu.dma_semaphore, #tpu.memory_space<semaphore_mem>>) src(%dma_wait3A_104 : memref<128xi32, #tpu.memory_space<hbm>>) dst(%arg9 : memref<128xi32, #tpu.memory_space<vmem>>)
      %dma_wait3A_105 = arith.constant 0 : i32
      %dma_wait3A_106 = tpu.memref_slice %arg7[%add3A_80, %dma_wait3A_105] : memref<80x128xi32, #tpu.memory_space<vmem>> -> memref<1x128xi32, #tpu.memory_space<vmem>>
      %dma_wait3A_107 = tpu.memref_squeeze %dma_wait3A_106 : memref<1x128xi32, #tpu.memory_space<vmem>> -> memref<128xi32, #tpu.memory_space<vmem>>
      %dma_wait3A_108 = arith.constant 0 : i32
      %dma_wait3A_109 = arith.constant 0 : i32
      %dma_wait3A_110 = tpu.memref_slice %arg2[%dma_wait3A_108, %dma_wait3A_109] : memref<10000x128xf32, #tpu.memory_space<hbm>> -> memref<10000x128xf32, #tpu.memory_space<hbm>>
      tpu.wait_indirect_dma semaphore(%arg14 : memref<!tpu.dma_semaphore, #tpu.memory_space<semaphore_mem>>) src(%dma_wait3A_110 : memref<10000x128xf32, #tpu.memory_space<hbm>>) dst(%arg11 : memref<128x128xf32, #tpu.memory_space<vmem>>)
      "tpu.region"() ({
        %run_scoped3A = tpu.sem_alloc : memref<!tpu.dma_semaphore, #tpu.memory_space<semaphore_mem>>
        %dma_start3A_111 = arith.constant 0 : i32
        %dma_start3A_112 = arith.constant 0 : i32
        %dma_start3A_113 = tpu.memref_slice %arg12[%dma_start3A_111, %dma_start3A_112] : memref<10240x128xf32, #tpu.memory_space<vmem_shared>> -> memref<10240x128xf32, #tpu.memory_space<vmem_shared>>
        tpu.enqueue_indirect_dma source(%arg11 : memref<128x128xf32, #tpu.memory_space<vmem>>) target(%dma_start3A_113 : memref<10240x128xf32, #tpu.memory_space<vmem_shared>>) offsets(%arg9 : memref<128xi32, #tpu.memory_space<vmem>>) semaphore(%run_scoped3A : memref<!tpu.dma_semaphore, #tpu.memory_space<semaphore_mem>>) {add = true}
        %dma_wait3A_114 = arith.constant 0 : i32
        %dma_wait3A_115 = arith.constant 0 : i32
        %dma_wait3A_116 = tpu.memref_slice %arg12[%dma_wait3A_114, %dma_wait3A_115] : memref<10240x128xf32, #tpu.memory_space<vmem_shared>> -> memref<10240x128xf32, #tpu.memory_space<vmem_shared>>
        tpu.wait_indirect_dma semaphore(%run_scoped3A : memref<!tpu.dma_semaphore, #tpu.memory_space<semaphore_mem>>) src(%arg11 : memref<128x128xf32, #tpu.memory_space<vmem>>) dst(%dma_wait3A_116 : memref<10240x128xf32, #tpu.memory_space<vmem_shared>>)
        tpu.yield
      }) : () -> ()
    }
    %scan3A_26 = arith.constant 40 : i32
    %add3A_27 = arith.constant 79 : i32
    %add3A_28 = arith.addi %mul3A_5, %add3A_27 : i32
    %dma_wait3A_29 = arith.constant 0 : i32
    %dma_wait3A_30 = tpu.memref_slice %arg4[%add3A_28, %dma_wait3A_29] : memref<2560x128xi32, #tpu.memory_space<hbm>> -> memref<1x128xi32, #tpu.memory_space<hbm>>
    %dma_wait3A_31 = tpu.memref_squeeze %dma_wait3A_30 : memref<1x128xi32, #tpu.memory_space<hbm>> -> memref<128xi32, #tpu.memory_space<hbm>>
    %dma_wait3A_32 = arith.constant 0 : i32
    %dma_wait3A_33 = tpu.memref_slice %arg4[%add3A_28, %dma_wait3A_32] : memref<2560x128xi32, #tpu.memory_space<hbm>> -> memref<1x128xi32, #tpu.memory_space<hbm>>
    %dma_wait3A_34 = tpu.memref_squeeze %dma_wait3A_33 : memref<1x128xi32, #tpu.memory_space<hbm>> -> memref<128xi32, #tpu.memory_space<hbm>>
    tpu.wait_dma2 semaphore(%arg15 : memref<!tpu.dma_semaphore, #tpu.memory_space<semaphore_mem>>) src(%dma_wait3A_34 : memref<128xi32, #tpu.memory_space<hbm>>) dst(%arg8 : memref<128xi32, #tpu.memory_space<vmem>>)
    %dma_wait3A_35 = arith.constant 79 : i32
    %dma_wait3A_36 = arith.constant 0 : i32
    %dma_wait3A_37 = tpu.memref_slice %arg7[%dma_wait3A_35, %dma_wait3A_36] : memref<80x128xi32, #tpu.memory_space<vmem>> -> memref<1x128xi32, #tpu.memory_space<vmem>>
    %dma_wait3A_38 = tpu.memref_squeeze %dma_wait3A_37 : memref<1x128xi32, #tpu.memory_space<vmem>> -> memref<128xi32, #tpu.memory_space<vmem>>
    %dma_wait3A_39 = arith.constant 0 : i32
    %dma_wait3A_40 = arith.constant 0 : i32
    %dma_wait3A_41 = tpu.memref_slice %arg2[%dma_wait3A_39, %dma_wait3A_40] : memref<10000x128xf32, #tpu.memory_space<hbm>> -> memref<10000x128xf32, #tpu.memory_space<hbm>>
    tpu.wait_indirect_dma semaphore(%arg13 : memref<!tpu.dma_semaphore, #tpu.memory_space<semaphore_mem>>) src(%dma_wait3A_41 : memref<10000x128xf32, #tpu.memory_space<hbm>>) dst(%arg10 : memref<128x128xf32, #tpu.memory_space<vmem>>)
    %barrier3A_42 = arith.constant 0 : index
    tpu.barrier barrier_id(%barrier3A_42)
    "tpu.region"() ({
      %run_scoped3A = tpu.sem_alloc : memref<!tpu.dma_semaphore, #tpu.memory_space<semaphore_mem>>
      %dma_start3A_43 = arith.constant 0 : i32
      %dma_start3A_44 = tpu.memref_slice %arg6[%arg0, %mul3A_0, %dma_start3A_43] : memref<2x10240x128xf32, #tpu.memory_space<hbm>> -> memref<1x640x128xf32, #tpu.memory_space<hbm>>
      %dma_start3A_45 = tpu.memref_squeeze %dma_start3A_44 : memref<1x640x128xf32, #tpu.memory_space<hbm>> -> memref<640x128xf32, #tpu.memory_space<hbm>>
      %dma_start3A_46 = arith.constant 0 : i32
      %dma_start3A_47 = tpu.memref_slice %arg12[%mul3A_0, %dma_start3A_46] : memref<10240x128xf32, #tpu.memory_space<vmem_shared>> -> memref<640x128xf32, #tpu.memory_space<vmem_shared>>
      tpu.enqueue_dma source(%dma_start3A_47 : memref<640x128xf32, #tpu.memory_space<vmem_shared>>) target(%dma_start3A_45 : memref<640x128xf32, #tpu.memory_space<hbm>>) target_semaphore(%run_scoped3A : memref<!tpu.dma_semaphore, #tpu.memory_space<semaphore_mem>>)
      %dma_wait3A_48 = arith.constant 0 : i32
      %dma_wait3A_49 = tpu.memref_slice %arg6[%arg0, %mul3A_0, %dma_wait3A_48] : memref<2x10240x128xf32, #tpu.memory_space<hbm>> -> memref<1x640x128xf32, #tpu.memory_space<hbm>>
      %dma_wait3A_50 = tpu.memref_squeeze %dma_wait3A_49 : memref<1x640x128xf32, #tpu.memory_space<hbm>> -> memref<640x128xf32, #tpu.memory_space<hbm>>
      %dma_wait3A_51 = arith.constant 0 : i32
      %dma_wait3A_52 = tpu.memref_slice %arg12[%mul3A_0, %dma_wait3A_51] : memref<10240x128xf32, #tpu.memory_space<vmem_shared>> -> memref<640x128xf32, #tpu.memory_space<vmem_shared>>
      tpu.wait_dma2 semaphore(%run_scoped3A : memref<!tpu.dma_semaphore, #tpu.memory_space<semaphore_mem>>) src(%dma_wait3A_52 : memref<640x128xf32, #tpu.memory_space<vmem_shared>>) dst(%dma_wait3A_50 : memref<640x128xf32, #tpu.memory_space<hbm>>)
      tpu.yield
    }) : () -> ()
    return
  }
}

module attributes {stable_mosaic.version = 14 : i64} {
  func.func @_tc1_body(%arg0: memref<10000x128xf32, #tpu.memory_space<vmem>>, %arg1: memref<128x128xf32, #tpu.memory_space<vmem>>, %arg2: memref<32x10240xf32, #tpu.memory_space<vmem>>, %arg3: memref<10000x128xf32, #tpu.memory_space<vmem>>, %arg4: memref<10000xf32, #tpu.memory_space<vmem>>) attributes {dimension_semantics = [], scalar_prefetch = 0 : i64, scratch_operands = 0 : i64, tpu.core_type = #tpu.core_type<tc>} {
    %get3A = arith.constant 0 : index
    %get3A_0 = arith.constant 0 : index
    %get3A_1 = vector.load %arg2[%get3A, %get3A_0] : memref<32x10240xf32, #tpu.memory_space<vmem>>, vector<32x10000xf32>
    %reduce_sum3A = arith.constant dense<0.000000e+00> : vector<10000xf32>
    %reduce_sum3A_2 = vector.multi_reduction <add>, %get3A_1, %reduce_sum3A [0] : vector<32x10000xf32> to vector<10000xf32>
    %add3A = arith.constant 1.000000e+00 : f32
    %add3A_3 = vector.broadcast %add3A : f32 to vector<10000xf32>
    %add3A_4 = arith.addf %reduce_sum3A_2, %add3A_3 : vector<10000xf32>
    %rsqrt3A = math.rsqrt %add3A_4 : vector<10000xf32>
    %get3A_5 = arith.constant 0 : index
    %get3A_6 = arith.constant 0 : index
    %get3A_7 = vector.load %arg0[%get3A_5, %get3A_6] : memref<10000x128xf32, #tpu.memory_space<vmem>>, vector<10000x128xf32>
    %get3A_8 = arith.constant 0 : index
    %get3A_9 = arith.constant 0 : index
    %get3A_10 = vector.load %arg1[%get3A_8, %get3A_9] : memref<128x128xf32, #tpu.memory_space<vmem>>, vector<128x128xf32>
    %dot_general3A = arith.constant dense<0.000000e+00> : vector<10000x128xf32>
    %dot_general3A_11 = tpu.matmul %get3A_7, %get3A_10, %dot_general3A {dimension_numbers = #tpu.dot_dimension_numbers<[1], [1], [0], [0], [0, 0, 1, 0], [], []>, transpose_lhs_hint = false} : vector<10000x128xf32>, vector<128x128xf32>, vector<10000x128xf32> -> vector<10000x128xf32>
    %broadcast_in_dim3A = vector.shape_cast %rsqrt3A : vector<10000xf32> to vector<10000x1xf32>
    %mul3A = vector.broadcast %broadcast_in_dim3A : vector<10000x1xf32> to vector<10000x128xf32>
    %mul3A_12 = arith.mulf %dot_general3A_11, %mul3A : vector<10000x128xf32>
    %swap3A = arith.constant 0 : index
    %swap3A_13 = arith.constant 0 : index
    %swap3A_14 = vector.load %arg3[%swap3A, %swap3A_13] : memref<10000x128xf32, #tpu.memory_space<vmem>>, vector<10000x128xf32>
    tpu.vector_store %arg3[%swap3A, %swap3A_13], %mul3A_12 {strides = array<i32>} : memref<10000x128xf32, #tpu.memory_space<vmem>>, vector<10000x128xf32>,
    %swap3A_15 = arith.constant 0 : index
    %swap3A_16 = vector.load %arg4[%swap3A_15] : memref<10000xf32, #tpu.memory_space<vmem>>, vector<10000xf32>
    tpu.vector_store %arg4[%swap3A_15], %rsqrt3A {strides = array<i32>} : memref<10000xf32, #tpu.memory_space<vmem>>, vector<10000xf32>,
    return
  }
}

module attributes {stable_mosaic.version = 14 : i64} {
  func.func @_tc2_body(%arg0: memref<2x10240x128xf32, #tpu.memory_space<vmem>>, %arg1: memref<10000x128xf32, #tpu.memory_space<vmem>>, %arg2: memref<10000xf32, #tpu.memory_space<vmem>>, %arg3: memref<128xf32, #tpu.memory_space<vmem>>, %arg4: memref<128xf32, #tpu.memory_space<vmem>>, %arg5: memref<128xf32, #tpu.memory_space<vmem>>, %arg6: memref<128x128xf32, #tpu.memory_space<vmem>>, %arg7: memref<10000x128xf32, #tpu.memory_space<vmem>>) attributes {dimension_semantics = [], scalar_prefetch = 0 : i64, scratch_operands = 0 : i64, tpu.core_type = #tpu.core_type<tc>} {
    %get3A = arith.constant 0 : index
    %get3A_0 = vector.load %arg2[%get3A] : memref<10000xf32, #tpu.memory_space<vmem>>, vector<10000xf32>
    %get3A_1 = arith.constant 0 : index
    %get3A_2 = arith.constant 0 : index
    %get3A_3 = arith.constant 0 : index
    %get3A_4 = vector.load %arg0[%get3A_1, %get3A_2, %get3A_3] : memref<2x10240x128xf32, #tpu.memory_space<vmem>>, vector<1x10000x128xf32>
    %get3A_5 = vector.shape_cast %get3A_4 : vector<1x10000x128xf32> to vector<10000x128xf32>
    %get3A_6 = arith.constant 1 : index
    %get3A_7 = arith.constant 0 : index
    %get3A_8 = arith.constant 0 : index
    %get3A_9 = vector.load %arg0[%get3A_6, %get3A_7, %get3A_8] : memref<2x10240x128xf32, #tpu.memory_space<vmem>>, vector<1x10000x128xf32>
    %get3A_10 = vector.shape_cast %get3A_9 : vector<1x10000x128xf32> to vector<10000x128xf32>
    %add3A = arith.addf %get3A_5, %get3A_10 : vector<10000x128xf32>
    %broadcast_in_dim3A = vector.shape_cast %get3A_0 : vector<10000xf32> to vector<10000x1xf32>
    %get3A_11 = arith.constant 0 : index
    %get3A_12 = arith.constant 0 : index
    %get3A_13 = vector.load %arg1[%get3A_11, %get3A_12] : memref<10000x128xf32, #tpu.memory_space<vmem>>, vector<10000x128xf32>
    %add3A_14 = arith.addf %add3A, %get3A_13 : vector<10000x128xf32>
    %mul3A = vector.broadcast %broadcast_in_dim3A : vector<10000x1xf32> to vector<10000x128xf32>
    %mul3A_15 = arith.mulf %mul3A, %add3A_14 : vector<10000x128xf32>
    %get3A_16 = arith.constant 0 : index
    %get3A_17 = vector.load %arg3[%get3A_16] : memref<128xf32, #tpu.memory_space<vmem>>, vector<128xf32>
    %broadcast_in_dim3A_18 = vector.shape_cast %get3A_17 : vector<128xf32> to vector<1x128xf32>
    %add3A_19 = vector.broadcast %broadcast_in_dim3A_18 : vector<1x128xf32> to vector<10000x128xf32>
    %add3A_20 = arith.addf %mul3A_15, %add3A_19 : vector<10000x128xf32>
    %reduce_sum3A = arith.constant dense<0.000000e+00> : vector<128xf32>
    %reduce_sum3A_21 = vector.multi_reduction <add>, %add3A_20, %reduce_sum3A [0] : vector<10000x128xf32> to vector<128xf32>
    %div3A = arith.constant 1.000000e+04 : f32
    %div3A_22 = vector.broadcast %div3A : f32 to vector<128xf32>
    %div3A_23 = arith.divf %reduce_sum3A_21, %div3A_22 : vector<128xf32>
    %broadcast_in_dim3A_24 = vector.shape_cast %div3A_23 : vector<128xf32> to vector<1x128xf32>
    %sub3A = vector.broadcast %broadcast_in_dim3A_24 : vector<1x128xf32> to vector<10000x128xf32>
    %sub3A_25 = arith.subf %add3A_20, %sub3A : vector<10000x128xf32>
    %integer_pow3A = arith.mulf %sub3A_25, %sub3A_25 : vector<10000x128xf32>
    %reduce_sum3A_26 = arith.constant dense<0.000000e+00> : vector<128xf32>
    %reduce_sum3A_27 = vector.multi_reduction <add>, %integer_pow3A, %reduce_sum3A_26 [0] : vector<10000x128xf32> to vector<128xf32>
    %div3A_28 = arith.constant 1.000000e+04 : f32
    %div3A_29 = vector.broadcast %div3A_28 : f32 to vector<128xf32>
    %div3A_30 = arith.divf %reduce_sum3A_27, %div3A_29 : vector<128xf32>
    %broadcast_in_dim3A_31 = vector.shape_cast %div3A_23 : vector<128xf32> to vector<1x128xf32>
    %sub3A_32 = vector.broadcast %broadcast_in_dim3A_31 : vector<1x128xf32> to vector<10000x128xf32>
    %sub3A_33 = arith.subf %add3A_20, %sub3A_32 : vector<10000x128xf32>
    %add3A_34 = arith.constant 9.99999974E-6 : f32
    %add3A_35 = vector.broadcast %add3A_34 : f32 to vector<128xf32>
    %add3A_36 = arith.addf %div3A_30, %add3A_35 : vector<128xf32>
    %rsqrt3A = math.rsqrt %add3A_36 : vector<128xf32>
    %broadcast_in_dim3A_37 = vector.shape_cast %rsqrt3A : vector<128xf32> to vector<1x128xf32>
    %mul3A_38 = vector.broadcast %broadcast_in_dim3A_37 : vector<1x128xf32> to vector<10000x128xf32>
    %mul3A_39 = arith.mulf %sub3A_33, %mul3A_38 : vector<10000x128xf32>
    %get3A_40 = arith.constant 0 : index
    %get3A_41 = vector.load %arg4[%get3A_40] : memref<128xf32, #tpu.memory_space<vmem>>, vector<128xf32>
    %broadcast_in_dim3A_42 = vector.shape_cast %get3A_41 : vector<128xf32> to vector<1x128xf32>
    %mul3A_43 = vector.broadcast %broadcast_in_dim3A_42 : vector<1x128xf32> to vector<10000x128xf32>
    %mul3A_44 = arith.mulf %mul3A_39, %mul3A_43 : vector<10000x128xf32>
    %get3A_45 = arith.constant 0 : index
    %get3A_46 = vector.load %arg5[%get3A_45] : memref<128xf32, #tpu.memory_space<vmem>>, vector<128xf32>
    %broadcast_in_dim3A_47 = vector.shape_cast %get3A_46 : vector<128xf32> to vector<1x128xf32>
    %add3A_48 = vector.broadcast %broadcast_in_dim3A_47 : vector<1x128xf32> to vector<10000x128xf32>
    %add3A_49 = arith.addf %mul3A_44, %add3A_48 : vector<10000x128xf32>
    %max3A = arith.constant 0.000000e+00 : f32
    %max3A_50 = vector.broadcast %max3A : f32 to vector<10000x128xf32>
    %max3A_51 = arith.maximumf %add3A_49, %max3A_50 : vector<10000x128xf32>
    %get3A_52 = arith.constant 0 : index
    %get3A_53 = arith.constant 0 : index
    %get3A_54 = vector.load %arg6[%get3A_52, %get3A_53] : memref<128x128xf32, #tpu.memory_space<vmem>>, vector<128x128xf32>
    %dot_general3A = arith.constant dense<0.000000e+00> : vector<10000x128xf32>
    %dot_general3A_55 = tpu.matmul %max3A_51, %get3A_54, %dot_general3A {dimension_numbers = #tpu.dot_dimension_numbers<[1], [1], [0], [0], [0, 0, 1, 0], [], []>, transpose_lhs_hint = false} : vector<10000x128xf32>, vector<128x128xf32>, vector<10000x128xf32> -> vector<10000x128xf32>
    %broadcast_in_dim3A_56 = vector.shape_cast %get3A_0 : vector<10000xf32> to vector<10000x1xf32>
    %mul3A_57 = vector.broadcast %broadcast_in_dim3A_56 : vector<10000x1xf32> to vector<10000x128xf32>
    %mul3A_58 = arith.mulf %dot_general3A_55, %mul3A_57 : vector<10000x128xf32>
    %swap3A = arith.constant 0 : index
    %swap3A_59 = arith.constant 0 : index
    %swap3A_60 = vector.load %arg7[%swap3A, %swap3A_59] : memref<10000x128xf32, #tpu.memory_space<vmem>>, vector<10000x128xf32>
    tpu.vector_store %arg7[%swap3A, %swap3A_59], %mul3A_58 {strides = array<i32>} : memref<10000x128xf32, #tpu.memory_space<vmem>>, vector<10000x128xf32>,
    return
  }
}

module attributes {stable_mosaic.version = 14 : i64} {
  func.func @_tc3_body(%arg0: memref<2x10240x128xf32, #tpu.memory_space<vmem>>, %arg1: memref<10000x128xf32, #tpu.memory_space<vmem>>, %arg2: memref<10000xf32, #tpu.memory_space<vmem>>, %arg3: memref<128xf32, #tpu.memory_space<vmem>>, %arg4: memref<128xf32, #tpu.memory_space<vmem>>, %arg5: memref<128xf32, #tpu.memory_space<vmem>>, %arg6: memref<10000xi32, #tpu.memory_space<vmem>>, %arg7: memref<128x128xf32, #tpu.memory_space<vmem>>, %arg8: memref<128xf32, #tpu.memory_space<vmem>>, %arg9: memref<64x128xf32, #tpu.memory_space<vmem>>) attributes {dimension_semantics = [], scalar_prefetch = 0 : i64, scratch_operands = 0 : i64, tpu.core_type = #tpu.core_type<tc>} {
    %get3A = arith.constant 0 : index
    %get3A_0 = vector.load %arg2[%get3A] : memref<10000xf32, #tpu.memory_space<vmem>>, vector<10000xf32>
    %get3A_1 = arith.constant 0 : index
    %get3A_2 = arith.constant 0 : index
    %get3A_3 = arith.constant 0 : index
    %get3A_4 = vector.load %arg0[%get3A_1, %get3A_2, %get3A_3] : memref<2x10240x128xf32, #tpu.memory_space<vmem>>, vector<1x10000x128xf32>
    %get3A_5 = vector.shape_cast %get3A_4 : vector<1x10000x128xf32> to vector<10000x128xf32>
    %get3A_6 = arith.constant 1 : index
    %get3A_7 = arith.constant 0 : index
    %get3A_8 = arith.constant 0 : index
    %get3A_9 = vector.load %arg0[%get3A_6, %get3A_7, %get3A_8] : memref<2x10240x128xf32, #tpu.memory_space<vmem>>, vector<1x10000x128xf32>
    %get3A_10 = vector.shape_cast %get3A_9 : vector<1x10000x128xf32> to vector<10000x128xf32>
    %add3A = arith.addf %get3A_5, %get3A_10 : vector<10000x128xf32>
    %broadcast_in_dim3A = vector.shape_cast %get3A_0 : vector<10000xf32> to vector<10000x1xf32>
    %get3A_11 = arith.constant 0 : index
    %get3A_12 = arith.constant 0 : index
    %get3A_13 = vector.load %arg1[%get3A_11, %get3A_12] : memref<10000x128xf32, #tpu.memory_space<vmem>>, vector<10000x128xf32>
    %add3A_14 = arith.addf %add3A, %get3A_13 : vector<10000x128xf32>
    %mul3A = vector.broadcast %broadcast_in_dim3A : vector<10000x1xf32> to vector<10000x128xf32>
    %mul3A_15 = arith.mulf %mul3A, %add3A_14 : vector<10000x128xf32>
    %get3A_16 = arith.constant 0 : index
    %get3A_17 = vector.load %arg3[%get3A_16] : memref<128xf32, #tpu.memory_space<vmem>>, vector<128xf32>
    %broadcast_in_dim3A_18 = vector.shape_cast %get3A_17 : vector<128xf32> to vector<1x128xf32>
    %add3A_19 = vector.broadcast %broadcast_in_dim3A_18 : vector<1x128xf32> to vector<10000x128xf32>
    %add3A_20 = arith.addf %mul3A_15, %add3A_19 : vector<10000x128xf32>
    %reduce_sum3A = arith.constant dense<0.000000e+00> : vector<128xf32>
    %reduce_sum3A_21 = vector.multi_reduction <add>, %add3A_20, %reduce_sum3A [0] : vector<10000x128xf32> to vector<128xf32>
    %div3A = arith.constant 1.000000e+04 : f32
    %div3A_22 = vector.broadcast %div3A : f32 to vector<128xf32>
    %div3A_23 = arith.divf %reduce_sum3A_21, %div3A_22 : vector<128xf32>
    %broadcast_in_dim3A_24 = vector.shape_cast %div3A_23 : vector<128xf32> to vector<1x128xf32>
    %sub3A = vector.broadcast %broadcast_in_dim3A_24 : vector<1x128xf32> to vector<10000x128xf32>
    %sub3A_25 = arith.subf %add3A_20, %sub3A : vector<10000x128xf32>
    %integer_pow3A = arith.mulf %sub3A_25, %sub3A_25 : vector<10000x128xf32>
    %reduce_sum3A_26 = arith.constant dense<0.000000e+00> : vector<128xf32>
    %reduce_sum3A_27 = vector.multi_reduction <add>, %integer_pow3A, %reduce_sum3A_26 [0] : vector<10000x128xf32> to vector<128xf32>
    %div3A_28 = arith.constant 1.000000e+04 : f32
    %div3A_29 = vector.broadcast %div3A_28 : f32 to vector<128xf32>
    %div3A_30 = arith.divf %reduce_sum3A_27, %div3A_29 : vector<128xf32>
    %broadcast_in_dim3A_31 = vector.shape_cast %div3A_23 : vector<128xf32> to vector<1x128xf32>
    %sub3A_32 = vector.broadcast %broadcast_in_dim3A_31 : vector<1x128xf32> to vector<10000x128xf32>
    %sub3A_33 = arith.subf %add3A_20, %sub3A_32 : vector<10000x128xf32>
    %add3A_34 = arith.constant 9.99999974E-6 : f32
    %add3A_35 = vector.broadcast %add3A_34 : f32 to vector<128xf32>
    %add3A_36 = arith.addf %div3A_30, %add3A_35 : vector<128xf32>
    %rsqrt3A = math.rsqrt %add3A_36 : vector<128xf32>
    %broadcast_in_dim3A_37 = vector.shape_cast %rsqrt3A : vector<128xf32> to vector<1x128xf32>
    %mul3A_38 = vector.broadcast %broadcast_in_dim3A_37 : vector<1x128xf32> to vector<10000x128xf32>
    %mul3A_39 = arith.mulf %sub3A_33, %mul3A_38 : vector<10000x128xf32>
    %get3A_40 = arith.constant 0 : index
    %get3A_41 = vector.load %arg4[%get3A_40] : memref<128xf32, #tpu.memory_space<vmem>>, vector<128xf32>
    %broadcast_in_dim3A_42 = vector.shape_cast %get3A_41 : vector<128xf32> to vector<1x128xf32>
    %mul3A_43 = vector.broadcast %broadcast_in_dim3A_42 : vector<1x128xf32> to vector<10000x128xf32>
    %mul3A_44 = arith.mulf %mul3A_39, %mul3A_43 : vector<10000x128xf32>
    %get3A_45 = arith.constant 0 : index
    %get3A_46 = vector.load %arg5[%get3A_45] : memref<128xf32, #tpu.memory_space<vmem>>, vector<128xf32>
    %broadcast_in_dim3A_47 = vector.shape_cast %get3A_46 : vector<128xf32> to vector<1x128xf32>
    %add3A_48 = vector.broadcast %broadcast_in_dim3A_47 : vector<1x128xf32> to vector<10000x128xf32>
    %add3A_49 = arith.addf %mul3A_44, %add3A_48 : vector<10000x128xf32>
    %max3A = arith.constant 0.000000e+00 : f32
    %max3A_50 = vector.broadcast %max3A : f32 to vector<10000x128xf32>
    %max3A_51 = arith.maximumf %add3A_49, %max3A_50 : vector<10000x128xf32>
    %iota3A = tpu.iota {dimensions = array<i32: 1>} : vector<10000x64xi32>
    %get3A_52 = arith.constant 0 : index
    %get3A_53 = vector.load %arg6[%get3A_52] : memref<10000xi32, #tpu.memory_space<vmem>>, vector<10000xi32>
    %broadcast_in_dim3A_54 = vector.shape_cast %get3A_53 : vector<10000xi32> to vector<10000x1xi32>
    %eq3A = vector.broadcast %broadcast_in_dim3A_54 : vector<10000x1xi32> to vector<10000x64xi32>
    %eq3A_55 = arith.cmpi eq, %eq3A, %iota3A : vector<10000x64xi32>
    %convert_element_type3A = arith.extui %eq3A_55 : vector<10000x64xi1> to vector<10000x64xi32>
    %convert_element_type3A_56 = arith.sitofp %convert_element_type3A : vector<10000x64xi32> to vector<10000x64xf32>
    %dot_general3A = arith.constant dense<0.000000e+00> : vector<64x128xf32>
    %dot_general3A_57 = tpu.matmul %convert_element_type3A_56, %max3A_51, %dot_general3A {dimension_numbers = #tpu.dot_dimension_numbers<[0], [0], [1], [1], [0, 1, 1, 1], [], []>, transpose_lhs_hint = false} : vector<10000x64xf32>, vector<10000x128xf32>, vector<64x128xf32> -> vector<64x128xf32>
    %reduce_sum3A_58 = arith.constant dense<0.000000e+00> : vector<64xf32>
    %reduce_sum3A_59 = vector.multi_reduction <add>, %convert_element_type3A_56, %reduce_sum3A_58 [0] : vector<10000x64xf32> to vector<64xf32>
    %max3A_60 = arith.constant 1.000000e+00 : f32
    %max3A_61 = vector.broadcast %max3A_60 : f32 to vector<64xf32>
    %max3A_62 = arith.maximumf %reduce_sum3A_59, %max3A_61 : vector<64xf32>
    %broadcast_in_dim3A_63 = vector.shape_cast %max3A_62 : vector<64xf32> to vector<64x1xf32>
    %div3A_64 = vector.broadcast %broadcast_in_dim3A_63 : vector<64x1xf32> to vector<64x128xf32>
    %div3A_65 = arith.divf %dot_general3A_57, %div3A_64 : vector<64x128xf32>
    %get3A_66 = arith.constant 0 : index
    %get3A_67 = arith.constant 0 : index
    %get3A_68 = vector.load %arg7[%get3A_66, %get3A_67] : memref<128x128xf32, #tpu.memory_space<vmem>>, vector<128x128xf32>
    %dot_general3A_69 = arith.constant dense<0.000000e+00> : vector<64x128xf32>
    %dot_general3A_70 = tpu.matmul %div3A_65, %get3A_68, %dot_general3A_69 {dimension_numbers = #tpu.dot_dimension_numbers<[1], [1], [0], [0], [0, 0, 1, 0], [], []>, transpose_lhs_hint = false} : vector<64x128xf32>, vector<128x128xf32>, vector<64x128xf32> -> vector<64x128xf32>
    %get3A_71 = arith.constant 0 : index
    %get3A_72 = vector.load %arg8[%get3A_71] : memref<128xf32, #tpu.memory_space<vmem>>, vector<128xf32>
    %broadcast_in_dim3A_73 = vector.shape_cast %get3A_72 : vector<128xf32> to vector<1x128xf32>
    %add3A_74 = vector.broadcast %broadcast_in_dim3A_73 : vector<1x128xf32> to vector<64x128xf32>
    %add3A_75 = arith.addf %dot_general3A_70, %add3A_74 : vector<64x128xf32>
    %swap3A = arith.constant 0 : index
    %swap3A_76 = arith.constant 0 : index
    %swap3A_77 = vector.load %arg9[%swap3A, %swap3A_76] : memref<64x128xf32, #tpu.memory_space<vmem>>, vector<64x128xf32>
    tpu.vector_store %arg9[%swap3A, %swap3A_76], %add3A_75 {strides = array<i32>} : memref<64x128xf32, #tpu.memory_space<vmem>>, vector<64x128xf32>,
    return
  }
}

</mosaic_0001>

<sc_bundles>
// kernel: kernel.11.cloned.1.call-start
scs
__scs_entry_jumppad:
0x0: {  	(pc) =	sbr.rel $0x88, $3  }
0x1: {  	(tag) =	ssettag $0x0;
	lr =	simm.s32 $0x1  }
0x2: {  	[smem:$0x3F94] =	sst lr;
	_ =	strace $0xD0000000  }
0x3: {  	_ = 	snop  }
0x4: {  	_ = 	snop  }
0x5: {  	_ = 	snop  }
0x6: {  	_ = 	snop  }
0x7: {  	_ = 	snop  }
__scs_overlays_trampoline_lowered:
0x8: {  	[smem:$0x3FA3] =	sst s0  }
0x9: {  	[smem:$0x3FA4] =	sst s1  }
0xa: {  	[smem:$0x3FA5] =	sst s2  }
0xb: {  	[smem:$0x3FA6] =	sst s3  }
0xc: {  	[smem:$0x3FA7] =	sst s4  }
0xd: {  	[smem:$0x3FA8] =	sst s5  }
0xe: {  	[smem:$0x3FA9] =	sst s6  }
0xf: {  	[smem:$0x3FAA] =	sst s7  }
0x10: {  	[smem:$0x3FAB] =	sst s8  }
0x11: {  	[smem:$0x3FAC] =	sst s9;
	s0 =	simm.s32 @!p0 $0x0  }
0x12: {  	s1 =	sld [smem:$0x3F92];
	s0 =	simm.s32 @p0 $0x1  }
0x13: {  	[smem:$0x3FAD] =	sst s0;
	s0 =	simm.s32 @!p1 $0x0  }
0x14: {  	s2 =	sld [smem:$0x3F91];
	s0 =	simm.s32 @p1 $0x1  }
0x15: {  	[smem:$0x3FAE] =	sst s0;
	s0 =	simm.s32 @!p2 $0x0  }
0x16: {  	s3 =	sld [smem:$0x3FDB];
	s0 =	simm.s32 @p2 $0x1  }
0x17: {  	s4 =	simm.s32 $0x1BF5;
	[smem:$0x3FB0] =	sst s0  }
0x18: {  	s0 =	sld [smem:$0x3F93];
	_ =	swait.ge [sflag:s4], $0x0  }
0x19: {  	s7 =	sld [smem:$0x3F94]  }
0x1a: {  	s8 =	sadd.s32 $0xFFFFE003, lr  }
0x1b: {  	s9 =	sadd.s32 $0xFFFFFEF7, lr;
	s5 =	simm.s32 $0xFFFFFFFF;
	p2 =	slt.u32 s8, $0xFFFFF086  }
0x1c: {  	p1 =	slt.u32 s9, $0xF7A;
	s5 =	simm.s32 @!p2 $0x0  }
0x1d: {  	s5 =	simm.s32 @p1 $0x1;
	p0 =	seq.s32 s7, s2  }
0x1e: {  	s7 =	smul.u32 @!p0 $0xF7A, s2;
	p2 =	seq.s32 @!p0 s5, $0x0  }
0x1f: {  	s9 =	smul.u32 $0xF7A, s1;
	s8 =	simm.s32 @!p0 $0x1BF5;
	p2 =	por !p2, p0  }
0x20: {  	[sflag:s8] =	ssyncset.s32 @!p0 $0xFFFFF086;
	s6 =	sadd.s32 @!p0 s3, s7;
	s7 =	simm.s32 @!p0 $0x108  }
0x21: {  	s3 =	sadd.s32 s3, s9;
	s6 =	sadd.s32 @!p0 $0x88, s6;
	s7 =	simm.s32 @p2 $0x1082  }
0x22: {  	[simem:s7], [sflag:s8] =	dma.local @!p0 [hbm:s6], $0xF7A  }
0x23: {  	s9 =	sor.u32 $0xD0000000, s2;
	s6 =	simm.s32 $0x108;
	_ =	swait.ge @!p0 [sflag:s8], $0x0  }
0x24: {  	s3 =	sadd.s32 $0x88, s3;
	s6 =	simm.s32 @!p1 $0x1082;
	[sflag:s4] =	ssyncset.s32 $0xFFFFF086  }
0x25: {  	[simem:s6], [sflag:s4] =	dma.local [hbm:s3], $0xF7A  }
0x26: {  	[smem:$0x3F94] =	sst s1;
	(tag) =	ssettag s2;
	_ =	strace s9  }
0x27: {  	s1 =	sld [smem:$0x3FA4]  }
0x28: {  	s2 =	sld [smem:$0x3FA5]  }
0x29: {  	s4 =	sld [smem:$0x3FA7]  }
0x2a: {  	p0 =	seq.s32 s5, $0x0;
	s5 =	sld [smem:$0x3FA8]  }
0x2b: {  	s6 =	sld [smem:$0x3FA9]  }
0x2c: {  	s7 =	sld [smem:$0x3FAA]  }
0x2d: {  	s3 =	simm.s32 $0x108;
	s8 =	sld [smem:$0x3FAB]  }
0x2e: {  	s3 =	simm.s32 @!p0 $0x1082;
	s9 =	sld [smem:$0x3FAC]  }
0x2f: {  	lr =	sadd.s32 s0, s3;
	s0 =	sld [smem:$0x3FA3]  }
0x30: {  	s3 =	sld [smem:$0x3FA6]  }
0x31: {  	[smem:$0x3FAF] =	sst s10  }
0x32: {  	s10 =	sld [smem:$0x3FAD];
	_ =	sdelay $0x3  }
0x33: {  	p0 =	seq.s32 s10, $0x1;
	s10 =	sld [smem:$0x3FAF];
	_ =	sdelay $0x3  }
0x34: {  	[smem:$0x3FAF] =	sst s10  }
0x35: {  	s10 =	sld [smem:$0x3FAE];
	_ =	sdelay $0x3  }
0x36: {  	p1 =	seq.s32 s10, $0x1;
	s10 =	sld [smem:$0x3FAF];
	_ =	sdelay $0x3  }
0x37: {  	[smem:$0x3FAF] =	sst s10  }
0x38: {  	s10 =	sld [smem:$0x3FB0]  }
0x39: {  	_ = 	snop;
	(pc) =	sbr.ind lr, $3  }
0x3a: {  	_ = 	snop  }
0x3b: {  	_ = 	snop  }
0x3c: {  	p2 =	seq.s32 s10, $0x1;
	s10 =	sld [smem:$0x3FAF]  }
0x3d: {  	_ =	shalt  }
0x3e: {  	_ =	shalt  }
0x3f: {  	_ =	shalt  }
0x40: {  	_ =	shalt  }
0x41: {  	_ =	shalt  }
0x42: {  	_ =	shalt  }
0x43: {  	_ =	shalt  }
0x44: {  	_ =	shalt  }
0x45: {  	_ =	shalt  }
0x46: {  	_ =	shalt  }
0x47: {  	_ =	shalt  }
0x48: {  	_ =	shalt  }
0x49: {  	_ =	shalt  }
0x4a: {  	_ =	shalt  }
0x4b: {  	_ =	shalt  }
0x4c: {  	_ =	shalt  }
0x4d: {  	_ =	shalt  }
0x4e: {  	_ =	shalt  }
0x4f: {  	_ =	shalt  }
0x50: {  	_ =	shalt  }
0x51: {  	_ =	shalt  }
0x52: {  	_ =	shalt  }
0x53: {  	_ =	shalt  }
0x54: {  	_ =	shalt  }
0x55: {  	_ =	shalt  }
0x56: {  	_ =	shalt  }
0x57: {  	_ =	shalt  }
0x58: {  	_ =	shalt  }
0x59: {  	_ =	shalt  }
0x5a: {  	_ =	shalt  }
0x5b: {  	_ =	shalt  }
0x5c: {  	_ =	shalt  }
0x5d: {  	_ =	shalt  }
0x5e: {  	_ =	shalt  }
0x5f: {  	_ =	shalt  }
0x60: {  	_ =	shalt  }
0x61: {  	_ =	shalt  }
0x62: {  	_ =	shalt  }
0x63: {  	_ =	shalt  }
0x64: {  	_ =	shalt  }
0x65: {  	_ =	shalt  }
0x66: {  	_ =	shalt  }
0x67: {  	_ =	shalt  }
0x68: {  	_ =	shalt  }
0x69: {  	_ =	shalt  }
0x6a: {  	_ =	shalt  }
0x6b: {  	_ =	shalt  }
0x6c: {  	_ =	shalt  }
0x6d: {  	_ =	shalt  }
0x6e: {  	_ =	shalt  }
0x6f: {  	_ =	shalt  }
0x70: {  	_ =	shalt  }
0x71: {  	_ =	shalt  }
0x72: {  	_ =	shalt  }
0x73: {  	_ =	shalt  }
0x74: {  	_ =	shalt  }
0x75: {  	_ =	shalt  }
0x76: {  	_ =	shalt  }
0x77: {  	_ =	shalt  }
0x78: {  	_ =	shalt  }
0x79: {  	_ =	shalt  }
0x7a: {  	_ =	shalt  }
0x7b: {  	_ =	shalt  }
0x7c: {  	_ =	shalt  }
0x7d: {  	_ =	shalt  }
0x7e: {  	_ =	shalt  }
0x7f: {  	_ =	shalt  }
0x80: {  	_ =	shalt  }
0x81: {  	_ =	shalt  }
0x82: {  	_ =	shalt  }
0x83: {  	_ =	shalt  }
0x84: {  	_ =	shalt  }
0x85: {  	_ =	shalt  }
0x86: {  	_ =	shalt  }
0x87: {  	_ =	shalt  }
.Lfunc_end0:
.L_simem_size_0:
called_computation.1_lowered:
.L_overlay_start_0:
0x88: {  	s2 =	sld [smem:$0x3FD9]  }
0x89: {  	s3 =	sld [smem:$0x3FFE];
	_ =	sdelay $0x1  }
0x8a: {  	s1 =	srdreg.scid  }
0x8b: {  	s0 =	sand.u32 $0x1, s1  }
0x8c: {  	s16 =	sshll.u32 s0, $0xA;
	s2 =	sadd.s32 s3, s2  }
0x8d: {  	s2 =	sadd.s32 s2, s16  }
0x8e: {  	[smem:$0x3FBB] =	sst s2  }
0x8f: {  	_ = 	snop  }
0x90: {  	(tm) =	ssettm $0x1  }
0x91: {  	s17 =	sld [smem:$0x3FFB];
	_ =	sdelay $0x3  }
0x92: {  	_ =	strace s17  }
0x93: {  	s2 =	sld [smem:$0x3FFC];
	_ =	sdelay $0x3  }
0x94: {  	_ =	strace s2  }
0x95: {  	s2 =	sld [smem:$0x3FFD];
	_ =	sdelay $0x3  }
0x96: {  	_ =	strace s2  }
0x97: {  	_ =	strace $0x8FFFFFFF  }
0x98: {  	s18 =	sld [smem:$0x3FDB];
	_ =	sdelay $0x1  }
0x99: {  	s19 =	simm.s32 $_scs_section_size  }
0x9a: {  	s4 =	simm.s32 $_size__tile_overlayer_lowered;
	s5 =	simm.s32 $_tile_overlayer_lowered  }
0x9b: {  	s22 =	simm.s32 $0x1BFF;
	s21 =	sshll.u32 s5, $0x1;
	s2 =	sadd.s32 s19, s18  }
0x9c: {  	s6 =	simm.s32 $0x0;
	s20 =	sshll.u32 s4, $0x1;
	s4 =	sadd.s32 s21, s2  }
0x9d: {  	[timem:s6], [sflag:s22] =	dma.local [hbm:s4], s20  }
0x9e: {  	_ =	swait.ge [sflag:s22], s20  }
0x9f: {  	s3 =	ssub.s32 $0x0, s20;
	[sflag:s22] =	ssyncset.done $0x0  }
0xa0: {  	[sflag:s22] =	ssyncadd.s32 s3;
	_ =	sdelay $0x1  }
0xa1: {  	s23 =	simm.s32 $0x1B8B  }
0xa2: {  	_ =	swait.ge [sflag:s23], $0x1  }
0xa3: {  	[sflag:s23] =	ssyncset.done $0x0  }
0xa4: {  	s25 =	simm.s32 $0x1B8E;
	s24 =	sld [smem:$0x3FFE];
	[sflag:s23] =	ssyncadd.s32 $0xFFFFFFFF  }
0xa5: {  	s26 =	simm.s32 $execute0_lowered;
	[smem:$0x3FD2] =	sst s25  }
0xa6: {  	s4 =	sshll.u32 s26, $0x1;
	_ =	strace $0x80000049;
	[dreg:$0x1] =	wrdreg $0xFFFFFFFF  }
0xa7: {  	s28 =	simm.s32 $_size_execute0_lowered;
	s2 =	sadd.s32 s2, s4;
	[dreg:$0x0] =	wrdreg $0x0  }
0xa8: {  	s4 =	sshll.u32 s28, $0x1;
	[dreg:$0x2] =	wrdreg s2  }
0xa9: {  	[dreg:$0x3] =	wrdreg s4  }
0xaa: {  	[dreg:$0x4] =	wrdreg $0xC0  }
0xab: {  	_ =	task [dreg:s6], $0x5FFFF  }
0xac: {  	[dreg:$0x1] =	wrdreg $0xFFFFFFFF  }
0xad: {  	[dreg:$0x0] =	wrdreg $0x60  }
0xae: {  	[dreg:$0x2] =	wrdreg s24  }
0xaf: {  	[dreg:$0x3] =	wrdreg $0xA9000  }
0xb0: {  	[dreg:$0x4] =	wrdreg $0x9  }
0xb1: {  	_ =	task.clear_ibuf [dreg:s6], $0x5FFFF;
	_ =	strace $0x90000049  }
0xb2: {  	s29 =	simm.s32 $0x9;
	_ =	strace $0x8000004B  }
0xb3: {  	_ =	swait.ge [sflag:s29], $0x1  }
0xb4: {  	[sflag:s29] =	ssyncadd.s32 $0xFFFFFFFF  }
0xb5: {  	_ =	strace $0x9000004B  }
0xb6: {  	_ =	sfence  }
0xb7: {  	s30 =	sld [smem:$0x0];
	_ =	sdelay $0x2  }
0xb8: {  	s31 =	sshll.u32 s1, $0xD;
	s1 =	sshrl.u32 s1, $0x2  }
0xb9: {  	s3 =	sand.u32 $0x4000, s31;
	s1 =	sadd.s32 s1, s30  }
0xba: {  	s0 =	sor.u32 s3, s0;
	s1 =	sshll.u32 s1, $0x11  }
0xbb: {  	s0 =	sor.u32 s1, s0  }
0xbc: {  	s0 =	sadd.s32 $0x8F2B, s0  }
0xbd: {  	[sflag:s0] =	ssyncadd.remote.s32 $0x1  }
0xbe: {  	_ =	sfence.sel $0xFFFF  }
0xbf: {  	[dreg:$0x0] =	wrdreg $0xFFFFFFFF;
	(pc) =	sbr.abs _section_cstart, $3  }
0xc0: {  	[dreg:$0x1] =	wrdreg $0xFFFFFFFF  }
0xc1: {  	_ =	task.clear_ibuf [dreg:s6], $0x2FFFF;
	_ =	strace $0x9FFFFFFF  }
0xc2: {  	(tm) =	ssettm $0x7FFFFFFF  }
0xc3: {  	_ =	shalt  }
tec
execute0_lowered:
.L_overlay_start_1:
0x0: {  	(tag) =	ssettag $0x1  }
0x1: {  	s0 =	srdreg.scid;
	s6 =	rddreg [dreg:$0x0]  }
0x2: {  	s11 =	stileid.u32;
	s2 =	rddreg [dreg:$0x1];
	s3 =	simm.s32 $0x0  }
0x3: {  	s16 =	simm.s32 $0x6;
	s17 =	simm.s32 $0x2800;
	s18 =	simm.s32 $0x80  }
0x4: {  	s19 =	simm.s32 $0x2900;
	s20 =	simm.s32 $0x5;
	s21 =	simm.s32 $0x2880  }
0x5: {  	s22 =	simm.s32 $0x6900;
	s23 =	simm.s32 $0x3;
	s24 =	simm.s32 $0x1  }
0x6: {  	s28 =	simm.s32 $0x2780;
	s29 =	simm.s32 $0x0;
	s8 =	smul.u32 $0x14000, s11  }
0x7: {  	s0 =	sand.u32 $0x1, s0;
	[smem:$0x7FF] =	sst s3;
	s10 =	smul.u32 $0x50000, s11  }
0x8: {  	s4 =	sadd.s32 $0x17A00, s6;
	s5 =	sadd.s32 $0x3A00, s6;
	s31 =	smul.u32 $0x500, s11  }
0x9: {  	s12 =	sadd.s32 $0x3EC00, s6;
	s1 =	sshll.u32 s0, $0x4;
	s7 =	smul.u32 $0x140000, s0  }
0xa: {  	_ =	strace $0x8000004A;
	s25 =	ssub.s32 $0x2, s0;
	[dreg:$0x3] =	wrdreg s12  }
0xb: {  	s0 =	smul.u32 $0x5000, s0;
	s1 =	sor.u32 s11, s1;
	s26 =	sshrl.u32 s25, $0x1  }
0xc: {  	s10 =	sshrl.u32 s10, $0x2;
	s1 =	smul.u32 $0x500, s1;
	s7 =	sadd.s32 s8, s7  }
0xd: {  	s8 =	ssub.s32 s25, s26;
	s15 =	sadd.s32 s10, s2;
	s14 =	sadd.s32 s31, s0  }
0xe: {  	s25 =	simm.s32 $0x4;
	s26 =	simm.s32 $0x2;
	s7 =	sshrl.u32 s7, $0x3  }
0xf: {  	s9 =	sadd.s32 s1, s6;
	s6 =	sadd.s32 s7, s6;
	s7 =	sshll.u32 s11, $0x6  }
0x10: {  	s12 =	smax.u32 s8, $0x1;
	s15 =	sshrl.u32 s15, $0x3;
	s30 =	sor.u32 $0x1C05, s7  }
0x11: {  	s10 =	sadd.s32 s5, s1;
	s9 =	sadd.s32 $0xDA00, s9;
	[dreg:$0x4] =	wrdreg s30  }
0x12: {  	s11 =	sadd.s32 $0x41400, s6;
	s13 =	sadd.s32 $0x4F0, s10;
	[dreg:$0x5] =	wrdreg s9  }
.LBB2_1:
0x13: {  	s0 =	rddreg [dreg:$0x3]  }
0x14: {  	s1 =	rddreg [dreg:$0x4]  }
0x15: {  	[spmem:s15], [sflag:s1] =	dma.local [hbm:s0], $0x2800  }
0x16: {  	s0 =	rddreg [dreg:$0x5]  }
0x17: {  	[tilespmem:s3], [sflag:$0x6] =	stream.linear.gather [hbm4b:s0+s3], $0x2800, $0x38;
	[tilespmem:$0x1E900] =	vst v63  }
0x18: {  	_ =	swait.ge [sflag:s16], $0x2800  }
0x19: {  	[sflag:s16] =	ssyncset.done $0x0  }
0x1a: {  	[sflag:s16] =	ssyncadd.s32 $0xFFFFD800  }
0x1b: {  	[tilespmem:s17], [sflag:$0x3] =	stream.linear.gather [hbm4b:s10+s3], $0x80, $0x38;
	[tilespmem:$0x1E900] =	vst v63  }
0x1c: {  	_ = 	snop  }
0x1d: {  	[tilespmem:s19], [sflag:$0x1] =	stream.indirect.gather [hbm4b:s4+s18], $0x80, s3, s18, $0xb8;
	[tilespmem:$0x1E900] =	vst v63  }
0x1e: {  	s8 =	simm.s32 $0x10;
	s0 =	sadd.s32 $0x20, s14;
	_ =	swait.ge [sflag:s20], $0x2800  }
0x1f: {  	s1 =	sand.u32 $0x70, s8;
	s6 =	sadd.s32 $0xFFFFFFE0, s0;
	[sflag:s20] =	ssyncset.done $0x0  }
0x20: {  	s1 =	sadd.s32 s5, s1;
	s6 =	sand.u32 $0xFFFFF80, s6;
	[sflag:s20] =	ssyncadd.s32 $0xFFFFD800  }
0x21: {  	s1 =	sadd.s32 s6, s1;
	[bflag:$0x0] =	sbarrier.arrive $0xFFFF  }
0x22: {  	[tilespmem:s21], [sflag:$0x4] =	stream.linear.gather [hbm4b:s1+s3], $0x80, $0x38;
	[tilespmem:$0x1E900] =	vst v63  }
0x23: {  	s9 =	simm.s32 $0x80  }
0x24: {  	[tilespmem:s22], [sflag:$0x2] =	stream.indirect.gather [hbm4b:s4+s18], $0x80, s9, s18, $0xb8;
	[tilespmem:$0x1E900] =	vst v63  }
0x25: {  	_ =	swait.ge [sflag:s23], $0x80  }
0x26: {  	[sflag:s23] =	ssyncset.done $0x0  }
0x27: {  	[sflag:s23] =	ssyncadd.s32 $0xFFFFFF80  }
0x28: {  	_ =	swait.ge [sflag:s24], $0x4000  }
0x29: {  	[sflag:s24] =	ssyncset.done $0x0  }
0x2a: {  	s6 =	simm.s32 $0x20;
	[sflag:s24] =	ssyncadd.s32 $0xFFFFC000  }
0x2b: {  	[spmem:s2] =	stream.indirect.scatter.add.f32 [tilespmem:s19], [sflag:$0x6], $0x80, s17, s18, $0xb8;
	[tilespmem:$0x1E900] =	vst v63  }
0x2c: {  	s1 =	sand.u32 $0x70, s6;
	_ =	swait.ge [sflag:s16], $0x4000  }
0x2d: {  	s0 =	sand.u32 $0xFFFFF80, s0;
	s1 =	sadd.s32 s5, s1;
	[sflag:s16] =	ssyncset.done $0x0  }
0x2e: {  	s0 =	sadd.s32 s0, s1;
	[sflag:s16] =	ssyncadd.s32 $0xFFFFC000  }
0x2f: {  	[tilespmem:s17], [sflag:$0x3] =	stream.linear.gather [hbm4b:s0+s3], $0x80, $0x38;
	[tilespmem:$0x1E900] =	vst v63  }
0x30: {  	s8 =	simm.s32 $0x100  }
0x31: {  	[tilespmem:s19], [sflag:$0x1] =	stream.indirect.gather [hbm4b:s4+s18], $0x80, s8, s18, $0xb8;
	[tilespmem:$0x1E900] =	vst v63  }
0x32: {  	_ =	swait.ge [sflag:s25], $0x80  }
0x33: {  	[sflag:s25] =	ssyncset.done $0x0  }
0x34: {  	[sflag:s25] =	ssyncadd.s32 $0xFFFFFF80  }
0x35: {  	s31 =	simm.s32 $0x40;
	_ =	swait.ge [sflag:s26], $0x4000  }
0x36: {  	s30 =	simm.s32 $0x200;
	s9 =	simm.s32 $0x30;
	[sflag:s26] =	ssyncset.done $0x0  }
0x37: {  	s1 =	sadd.s32 $0x40, s14;
	s6 =	sand.u32 $0x70, s9;
	[sflag:s26] =	ssyncadd.s32 $0xFFFFC000  }
0x38: {  	[spmem:s2] =	stream.indirect.scatter.add.f32 [tilespmem:s22], [sflag:$0x6], $0x80, s21, s18, $0xb8;
	[tilespmem:$0x1E900] =	vst v63  }
0x39: {  	s9 =	sadd.s32 s5, s6;
	s8 =	sadd.s32 $0xFFFFFFE0, s1;
	_ =	swait.ge [sflag:s16], $0x4000  }
0x3a: {  	s0 =	simm.s32 $0x60;
	s8 =	sand.u32 $0xFFFFF80, s8;
	[sflag:s16] =	ssyncset.done $0x0  }
.LBB2_2:
0x3b: {  	s8 =	sadd.s32 s8, s9  }
0x3c: {  	[sflag:s16] =	ssyncadd.s32 $0xFFFFC000;
	s9 =	smov.u32 s0;
	s6 =	sadd.s32 $0x20, s0  }
0x3d: {  	[tilespmem:s21], [sflag:$0x4] =	stream.linear.gather [hbm4b:s8+s3], $0x80, $0x38;
	[tilespmem:$0x1E900] =	vst v63  }
0x3e: {  	p0 =	sne.s32 s0, $0x4E0;
	s0 =	sadd.s32 $0xFFFFFF80, s30  }
0x3f: {  	[tilespmem:s22], [sflag:$0x2] =	stream.indirect.gather [hbm4b:s4+s18], $0x80, s0, s18, $0xb8;
	[tilespmem:$0x1E900] =	vst v63  }
0x40: {  	_ =	swait.ge [sflag:s23], $0x80  }
0x41: {  	[sflag:s23] =	ssyncset.done $0x0  }
0x42: {  	[sflag:s23] =	ssyncadd.s32 $0xFFFFFF80  }
0x43: {  	_ =	swait.ge [sflag:s24], $0x4000  }
0x44: {  	[sflag:s24] =	ssyncset.done $0x0  }
0x45: {  	[sflag:s24] =	ssyncadd.s32 $0xFFFFC000  }
0x46: {  	[spmem:s2] =	stream.indirect.scatter.add.f32 [tilespmem:s19], [sflag:$0x6], $0x80, s17, s18, $0xb8;
	[tilespmem:$0x1E900] =	vst v63  }
0x47: {  	s0 =	sand.u32 $0x70, s31;
	s31 =	smov.u32 s9;
	_ =	swait.ge [sflag:s16], $0x4000  }
0x48: {  	s1 =	sand.u32 $0xFFFFF80, s1;
	s0 =	sadd.s32 s5, s0;
	[sflag:s16] =	ssyncset.done $0x0  }
0x49: {  	s0 =	sadd.s32 s1, s0;
	[sflag:s16] =	ssyncadd.s32 $0xFFFFC000  }
0x4a: {  	[tilespmem:s17], [sflag:$0x3] =	stream.linear.gather [hbm4b:s0+s3], $0x80, $0x38;
	[tilespmem:$0x1E900] =	vst v63  }
0x4b: {  	_ = 	snop  }
0x4c: {  	[tilespmem:s19], [sflag:$0x1] =	stream.indirect.gather [hbm4b:s4+s18], $0x80, s30, s18, $0xb8;
	[tilespmem:$0x1E900] =	vst v63  }
0x4d: {  	_ =	swait.ge [sflag:s25], $0x80  }
0x4e: {  	[sflag:s25] =	ssyncset.done $0x0  }
0x4f: {  	[sflag:s25] =	ssyncadd.s32 $0xFFFFFF80  }
0x50: {  	s1 =	sadd.s32 s31, s14;
	_ =	swait.ge [sflag:s26], $0x4000  }
.Ltmp0:
0x51: {  	s30 =	sadd.s32 $0x100, s30;
	[sflag:s26] =	ssyncset.done $0x0;
	(pc) =	sbr.rel @p0 .LBB2_2-.Ltmp0, $4  }
0x52: {  	s8 =	sadd.s32 $0xFFFFFFE0, s1;
	s0 =	sadd.s32 $0xFFFFFFF0, s31;
	[sflag:s26] =	ssyncadd.s32 $0xFFFFC000  }
0x53: {  	[spmem:s2] =	stream.indirect.scatter.add.f32 [tilespmem:s22], [sflag:$0x6], $0x80, s21, s18, $0xb8;
	[tilespmem:$0x1E900] =	vst v63  }
0x54: {  	s8 =	sand.u32 $0xFFFFF80, s8;
	s0 =	sand.u32 $0x70, s0;
	_ =	swait.ge [sflag:s16], $0x4000  }
0x55: {  	s9 =	sadd.s32 s5, s0;
	s0 =	smov.u32 s6;
	[sflag:s16] =	ssyncset.done $0x0  }
0x56: {  	s0 =	sadd.s32 s8, s9;
	[sflag:s16] =	ssyncadd.s32 $0xFFFFC000  }
0x57: {  	[tilespmem:s21], [sflag:$0x4] =	stream.linear.gather [hbm4b:s0+s3], $0x80, $0x38;
	[tilespmem:$0x1E900] =	vst v63  }
0x58: {  	s8 =	sadd.s32 $0xFFFFFF80, s30  }
0x59: {  	[tilespmem:s22], [sflag:$0x2] =	stream.indirect.gather [hbm4b:s4+s18], $0x80, s8, s18, $0xb8;
	[tilespmem:$0x1E900] =	vst v63  }
0x5a: {  	_ =	swait.ge [sflag:s23], $0x80  }
0x5b: {  	[sflag:s23] =	ssyncset.done $0x0  }
0x5c: {  	[sflag:s23] =	ssyncadd.s32 $0xFFFFFF80  }
0x5d: {  	_ =	swait.ge [sflag:s24], $0x4000  }
0x5e: {  	[sflag:s24] =	ssyncset.done $0x0  }
0x5f: {  	[sflag:s24] =	ssyncadd.s32 $0xFFFFC000  }
0x60: {  	[spmem:s2] =	stream.indirect.scatter.add.f32 [tilespmem:s19], [sflag:$0x6], $0x80, s17, s18, $0xb8;
	[tilespmem:$0x1E900] =	vst v63  }
0x61: {  	s9 =	sand.u32 $0x70, s31;
	_ =	swait.ge [sflag:s16], $0x4000  }
0x62: {  	s1 =	sand.u32 $0xFFFFF80, s1;
	s0 =	sadd.s32 s5, s9;
	[sflag:s16] =	ssyncset.done $0x0  }
0x63: {  	s0 =	sadd.s32 s1, s0;
	[sflag:s16] =	ssyncadd.s32 $0xFFFFC000  }
0x64: {  	[tilespmem:s17], [sflag:$0x3] =	stream.linear.gather [hbm4b:s0+s3], $0x80, $0x38;
	[tilespmem:$0x1E900] =	vst v63  }
0x65: {  	_ = 	snop  }
0x66: {  	[tilespmem:s19], [sflag:$0x1] =	stream.indirect.gather [hbm4b:s4+s18], $0x80, s30, s18, $0xb8;
	[tilespmem:$0x1E900] =	vst v63  }
0x67: {  	_ =	swait.ge [sflag:s25], $0x80  }
0x68: {  	[sflag:s25] =	ssyncset.done $0x0  }
0x69: {  	[sflag:s25] =	ssyncadd.s32 $0xFFFFFF80  }
0x6a: {  	_ =	swait.ge [sflag:s26], $0x4000  }
0x6b: {  	[sflag:s26] =	ssyncset.done $0x0  }
0x6c: {  	[sflag:s26] =	ssyncadd.s32 $0xFFFFC000  }
0x6d: {  	[spmem:s2] =	stream.indirect.scatter.add.f32 [tilespmem:s22], [sflag:$0x6], $0x80, s21, s18, $0xb8;
	[tilespmem:$0x1E900] =	vst v63  }
0x6e: {  	_ =	swait.ge [sflag:s16], $0x4000  }
0x6f: {  	[sflag:s16] =	ssyncset.done $0x0  }
0x70: {  	[sflag:s16] =	ssyncadd.s32 $0xFFFFC000  }
0x71: {  	[tilespmem:s21], [sflag:$0x4] =	stream.linear.gather [hbm4b:s13+s3], $0x80, $0x38;
	[tilespmem:$0x1E900] =	vst v63  }
0x72: {  	_ = 	snop  }
0x73: {  	[tilespmem:s22], [sflag:$0x2] =	stream.indirect.gather [hbm4b:s4+s18], $0x80, s28, s18, $0xb8;
	[tilespmem:$0x1E900] =	vst v63  }
0x74: {  	_ =	swait.ge [sflag:s23], $0x80  }
0x75: {  	[sflag:s23] =	ssyncset.done $0x0  }
0x76: {  	[sflag:s23] =	ssyncadd.s32 $0xFFFFFF80  }
0x77: {  	_ =	swait.ge [sflag:s24], $0x4000  }
0x78: {  	[sflag:s24] =	ssyncset.done $0x0  }
0x79: {  	[sflag:s24] =	ssyncadd.s32 $0xFFFFC000  }
0x7a: {  	[spmem:s2] =	stream.indirect.scatter.add.f32 [tilespmem:s19], [sflag:$0x6], $0x80, s17, s18, $0xb8;
	[tilespmem:$0x1E900] =	vst v63  }
0x7b: {  	_ =	swait.ge [sflag:s16], $0x4000  }
0x7c: {  	[sflag:s16] =	ssyncset.done $0x0  }
0x7d: {  	[sflag:s16] =	ssyncadd.s32 $0xFFFFC000  }
0x7e: {  	[tilespmem:s17], [sflag:$0x3] =	stream.linear.gather [hbm4b:s13+s3], $0x80, $0x38;
	[tilespmem:$0x1E900] =	vst v63  }
0x7f: {  	_ = 	snop  }
0x80: {  	[tilespmem:s19], [sflag:$0x1] =	stream.indirect.gather [hbm4b:s4+s18], $0x80, s28, s18, $0xb8;
	[tilespmem:$0x1E900] =	vst v63  }
0x81: {  	_ =	swait.ge [sflag:s25], $0x80  }
0x82: {  	[sflag:s25] =	ssyncset.done $0x0  }
0x83: {  	[sflag:s25] =	ssyncadd.s32 $0xFFFFFF80  }
0x84: {  	_ =	swait.ge [sflag:s26], $0x4000  }
0x85: {  	[sflag:s26] =	ssyncset.done $0x0  }
0x86: {  	[sflag:s26] =	ssyncadd.s32 $0xFFFFC000  }
0x87: {  	[spmem:s2] =	stream.indirect.scatter.add.f32 [tilespmem:s22], [sflag:$0x6], $0x80, s21, s18, $0xb8;
	[tilespmem:$0x1E900] =	vst v63  }
0x88: {  	_ =	swait.ge [sflag:s16], $0x4000  }
0x89: {  	[sflag:s16] =	ssyncset.done $0x0  }
0x8a: {  	[sflag:s16] =	ssyncadd.s32 $0xFFFFC000  }
0x8b: {  	_ =	swait.ge [sflag:s23], $0x80  }
0x8c: {  	[sflag:s23] =	ssyncset.done $0x0  }
0x8d: {  	[sflag:s23] =	ssyncadd.s32 $0xFFFFFF80  }
0x8e: {  	_ =	swait.ge [sflag:s24], $0x4000  }
0x8f: {  	s29 =	sadd.s32 $0x1, s29;
	[sflag:s24] =	ssyncset.done $0x0  }
0x90: {  	p0 =	sne.s32 s29, s12;
	[sflag:s24] =	ssyncadd.s32 $0xFFFFC000  }
.Ltmp1:
0x91: {  	s31 =	sor.u32 $0x1C06, s7;
	[bflag:$0x0] =	sbarrier.arrive $0xFFFF;
	(pc) =	sbr.rel @p0 .LBB2_1-.Ltmp1, $4  }
0x92: {  	[hbm:s11], [sflag:s31] =	dma.local [spmem:s15], $0x2800  }
0x93: {  	_ =	swait.ge [sflag:s16], $0x2800  }
0x94: {  	[sflag:s16] =	ssyncset.done $0x0  }
0x95: {  	[sflag:s16] =	ssyncadd.s32 $0xFFFFD800  }
0x96: {  	_ =	sfence.sel $0x180000  }
0x97: {  	[bflag:$0x0] =	sbarrier.arrive $0xFFFF  }
0x98: {  	_ =	strace $0x9000004A  }
0x99: {  	s0 =	stileid.u32;
	[bflag:$0x2] =	sbarrier.arrive $0xFFFF  }
0x9a: {  	p0 =	sne.s32 s0, $0x0;
	s0 =	rddreg [dreg:$0x2]  }
0x9b: {  	s0 =	sadd.s32 @!p0 $0x100000, s0  }
0x9c: {  	[sflag:s0] =	ssyncadd.tile.s32 @!p0 $0x1;
	_ =	shalt  }
.Lfunc_end2:
_tile_overlayer_lowered:
.L_overlay_start_2:
0x9d: {  	(tag) =	ssettag $0x2  }
0x9e: {  	s0 =	rddreg [dreg:$0x0];
	s2 =	stileid.u32  }
0x9f: {  	s1 =	rddreg [dreg:$0x1];
	p0 =	sne.s32 s2, $0x0  }
0xa0: {  	s3 =	rddreg [dreg:$0x2];
	[bflag:$0x3] =	sbarrier.arrive $0xFFFF;
	s2 =	simm.s32 @!p0 $0x1C06  }
0xa1: {  	[timem:s3], [sflag:s2] =	dma.local @!p0 [hbm:s0], s1  }
0xa2: {  	s0 =	simm.s32 @!p0 $0x6  }
0xa3: {  	_ =	swait.ge @!p0 [sflag:s0], s1  }
0xa4: {  	s1 =	ssub.s32 @!p0 $0x0, s1;
	[sflag:s0] =	ssyncset.done @!p0 $0x0  }
0xa5: {  	[sflag:s0] =	ssyncadd.s32 @!p0 s1  }
0xa6: {  	[bflag:$0x3] =	sbarrier.arrive $0xFFFF  }
0xa7: {  	_ =	shalt  }

// kernel: kernel.14.cloned.1.call-start
scs
__scs_entry_jumppad:
0x0: {  	(pc) =	sbr.rel $0x88, $3  }
0x1: {  	(tag) =	ssettag $0x0;
	lr =	simm.s32 $0x1  }
0x2: {  	[smem:$0x3F94] =	sst lr;
	_ =	strace $0xD0000000  }
0x3: {  	_ = 	snop  }
0x4: {  	_ = 	snop  }
0x5: {  	_ = 	snop  }
0x6: {  	_ = 	snop  }
0x7: {  	_ = 	snop  }
__scs_overlays_trampoline_lowered:
0x8: {  	[smem:$0x3FA3] =	sst s0  }
0x9: {  	[smem:$0x3FA4] =	sst s1  }
0xa: {  	[smem:$0x3FA5] =	sst s2  }
0xb: {  	[smem:$0x3FA6] =	sst s3  }
0xc: {  	[smem:$0x3FA7] =	sst s4  }
0xd: {  	[smem:$0x3FA8] =	sst s5  }
0xe: {  	[smem:$0x3FA9] =	sst s6  }
0xf: {  	[smem:$0x3FAA] =	sst s7  }
0x10: {  	[smem:$0x3FAB] =	sst s8  }
0x11: {  	[smem:$0x3FAC] =	sst s9;
	s0 =	simm.s32 @!p0 $0x0  }
0x12: {  	s1 =	sld [smem:$0x3F92];
	s0 =	simm.s32 @p0 $0x1  }
0x13: {  	[smem:$0x3FAD] =	sst s0;
	s0 =	simm.s32 @!p1 $0x0  }
0x14: {  	s2 =	sld [smem:$0x3F91];
	s0 =	simm.s32 @p1 $0x1  }
0x15: {  	[smem:$0x3FAE] =	sst s0;
	s0 =	simm.s32 @!p2 $0x0  }
0x16: {  	s3 =	sld [smem:$0x3FDB];
	s0 =	simm.s32 @p2 $0x1  }
0x17: {  	s4 =	simm.s32 $0x1BF5;
	[smem:$0x3FB0] =	sst s0  }
0x18: {  	s0 =	sld [smem:$0x3F93];
	_ =	swait.ge [sflag:s4], $0x0  }
0x19: {  	s7 =	sld [smem:$0x3F94]  }
0x1a: {  	s8 =	sadd.s32 $0xFFFFE003, lr  }
0x1b: {  	s9 =	sadd.s32 $0xFFFFFEF7, lr;
	s5 =	simm.s32 $0xFFFFFFFF;
	p2 =	slt.u32 s8, $0xFFFFF086  }
0x1c: {  	p1 =	slt.u32 s9, $0xF7A;
	s5 =	simm.s32 @!p2 $0x0  }
0x1d: {  	s5 =	simm.s32 @p1 $0x1;
	p0 =	seq.s32 s7, s2  }
0x1e: {  	s7 =	smul.u32 @!p0 $0xF7A, s2;
	p2 =	seq.s32 @!p0 s5, $0x0  }
0x1f: {  	s9 =	smul.u32 $0xF7A, s1;
	s8 =	simm.s32 @!p0 $0x1BF5;
	p2 =	por !p2, p0  }
0x20: {  	[sflag:s8] =	ssyncset.s32 @!p0 $0xFFFFF086;
	s6 =	sadd.s32 @!p0 s3, s7;
	s7 =	simm.s32 @!p0 $0x108  }
0x21: {  	s3 =	sadd.s32 s3, s9;
	s6 =	sadd.s32 @!p0 $0x88, s6;
	s7 =	simm.s32 @p2 $0x1082  }
0x22: {  	[simem:s7], [sflag:s8] =	dma.local @!p0 [hbm:s6], $0xF7A  }
0x23: {  	s9 =	sor.u32 $0xD0000000, s2;
	s6 =	simm.s32 $0x108;
	_ =	swait.ge @!p0 [sflag:s8], $0x0  }
0x24: {  	s3 =	sadd.s32 $0x88, s3;
	s6 =	simm.s32 @!p1 $0x1082;
	[sflag:s4] =	ssyncset.s32 $0xFFFFF086  }
0x25: {  	[simem:s6], [sflag:s4] =	dma.local [hbm:s3], $0xF7A  }
0x26: {  	[smem:$0x3F94] =	sst s1;
	(tag) =	ssettag s2;
	_ =	strace s9  }
0x27: {  	s1 =	sld [smem:$0x3FA4]  }
0x28: {  	s2 =	sld [smem:$0x3FA5]  }
0x29: {  	s4 =	sld [smem:$0x3FA7]  }
0x2a: {  	p0 =	seq.s32 s5, $0x0;
	s5 =	sld [smem:$0x3FA8]  }
0x2b: {  	s6 =	sld [smem:$0x3FA9]  }
0x2c: {  	s7 =	sld [smem:$0x3FAA]  }
0x2d: {  	s3 =	simm.s32 $0x108;
	s8 =	sld [smem:$0x3FAB]  }
0x2e: {  	s3 =	simm.s32 @!p0 $0x1082;
	s9 =	sld [smem:$0x3FAC]  }
0x2f: {  	lr =	sadd.s32 s0, s3;
	s0 =	sld [smem:$0x3FA3]  }
0x30: {  	s3 =	sld [smem:$0x3FA6]  }
0x31: {  	[smem:$0x3FAF] =	sst s10  }
0x32: {  	s10 =	sld [smem:$0x3FAD];
	_ =	sdelay $0x3  }
0x33: {  	p0 =	seq.s32 s10, $0x1;
	s10 =	sld [smem:$0x3FAF];
	_ =	sdelay $0x3  }
0x34: {  	[smem:$0x3FAF] =	sst s10  }
0x35: {  	s10 =	sld [smem:$0x3FAE];
	_ =	sdelay $0x3  }
0x36: {  	p1 =	seq.s32 s10, $0x1;
	s10 =	sld [smem:$0x3FAF];
	_ =	sdelay $0x3  }
0x37: {  	[smem:$0x3FAF] =	sst s10  }
0x38: {  	s10 =	sld [smem:$0x3FB0]  }
0x39: {  	_ = 	snop;
	(pc) =	sbr.ind lr, $3  }
0x3a: {  	_ = 	snop  }
0x3b: {  	_ = 	snop  }
0x3c: {  	p2 =	seq.s32 s10, $0x1;
	s10 =	sld [smem:$0x3FAF]  }
0x3d: {  	_ =	shalt  }
0x3e: {  	_ =	shalt  }
0x3f: {  	_ =	shalt  }
0x40: {  	_ =	shalt  }
0x41: {  	_ =	shalt  }
0x42: {  	_ =	shalt  }
0x43: {  	_ =	shalt  }
0x44: {  	_ =	shalt  }
0x45: {  	_ =	shalt  }
0x46: {  	_ =	shalt  }
0x47: {  	_ =	shalt  }
0x48: {  	_ =	shalt  }
0x49: {  	_ =	shalt  }
0x4a: {  	_ =	shalt  }
0x4b: {  	_ =	shalt  }
0x4c: {  	_ =	shalt  }
0x4d: {  	_ =	shalt  }
0x4e: {  	_ =	shalt  }
0x4f: {  	_ =	shalt  }
0x50: {  	_ =	shalt  }
0x51: {  	_ =	shalt  }
0x52: {  	_ =	shalt  }
0x53: {  	_ =	shalt  }
0x54: {  	_ =	shalt  }
0x55: {  	_ =	shalt  }
0x56: {  	_ =	shalt  }
0x57: {  	_ =	shalt  }
0x58: {  	_ =	shalt  }
0x59: {  	_ =	shalt  }
0x5a: {  	_ =	shalt  }
0x5b: {  	_ =	shalt  }
0x5c: {  	_ =	shalt  }
0x5d: {  	_ =	shalt  }
0x5e: {  	_ =	shalt  }
0x5f: {  	_ =	shalt  }
0x60: {  	_ =	shalt  }
0x61: {  	_ =	shalt  }
0x62: {  	_ =	shalt  }
0x63: {  	_ =	shalt  }
0x64: {  	_ =	shalt  }
0x65: {  	_ =	shalt  }
0x66: {  	_ =	shalt  }
0x67: {  	_ =	shalt  }
0x68: {  	_ =	shalt  }
0x69: {  	_ =	shalt  }
0x6a: {  	_ =	shalt  }
0x6b: {  	_ =	shalt  }
0x6c: {  	_ =	shalt  }
0x6d: {  	_ =	shalt  }
0x6e: {  	_ =	shalt  }
0x6f: {  	_ =	shalt  }
0x70: {  	_ =	shalt  }
0x71: {  	_ =	shalt  }
0x72: {  	_ =	shalt  }
0x73: {  	_ =	shalt  }
0x74: {  	_ =	shalt  }
0x75: {  	_ =	shalt  }
0x76: {  	_ =	shalt  }
0x77: {  	_ =	shalt  }
0x78: {  	_ =	shalt  }
0x79: {  	_ =	shalt  }
0x7a: {  	_ =	shalt  }
0x7b: {  	_ =	shalt  }
0x7c: {  	_ =	shalt  }
0x7d: {  	_ =	shalt  }
0x7e: {  	_ =	shalt  }
0x7f: {  	_ =	shalt  }
0x80: {  	_ =	shalt  }
0x81: {  	_ =	shalt  }
0x82: {  	_ =	shalt  }
0x83: {  	_ =	shalt  }
0x84: {  	_ =	shalt  }
0x85: {  	_ =	shalt  }
0x86: {  	_ =	shalt  }
0x87: {  	_ =	shalt  }
.Lfunc_end0:
.L_simem_size_0:
called_computation.2_lowered:
.L_overlay_start_0:
0x88: {  	s2 =	sld [smem:$0x3FD9]  }
0x89: {  	s3 =	sld [smem:$0x3FFE];
	_ =	sdelay $0x1  }
0x8a: {  	s1 =	srdreg.scid  }
0x8b: {  	s0 =	sand.u32 $0x1, s1  }
0x8c: {  	s16 =	sshll.u32 s0, $0xA;
	s2 =	sadd.s32 s3, s2  }
0x8d: {  	s2 =	sadd.s32 s2, s16  }
0x8e: {  	[smem:$0x3FBB] =	sst s2  }
0x8f: {  	_ = 	snop  }
0x90: {  	(tm) =	ssettm $0x1  }
0x91: {  	s17 =	sld [smem:$0x3FFB];
	_ =	sdelay $0x3  }
0x92: {  	_ =	strace s17  }
0x93: {  	s2 =	sld [smem:$0x3FFC];
	_ =	sdelay $0x3  }
0x94: {  	_ =	strace s2  }
0x95: {  	s2 =	sld [smem:$0x3FFD];
	_ =	sdelay $0x3  }
0x96: {  	_ =	strace s2  }
0x97: {  	_ =	strace $0x8FFFFFFF  }
0x98: {  	s18 =	sld [smem:$0x3FDB];
	_ =	sdelay $0x1  }
0x99: {  	s19 =	simm.s32 $_scs_section_size  }
0x9a: {  	s4 =	simm.s32 $_size__tile_overlayer_lowered;
	s5 =	simm.s32 $_tile_overlayer_lowered  }
0x9b: {  	s22 =	simm.s32 $0x1BFF;
	s21 =	sshll.u32 s5, $0x1;
	s2 =	sadd.s32 s19, s18  }
0x9c: {  	s6 =	simm.s32 $0x0;
	s20 =	sshll.u32 s4, $0x1;
	s4 =	sadd.s32 s21, s2  }
0x9d: {  	[timem:s6], [sflag:s22] =	dma.local [hbm:s4], s20  }
0x9e: {  	_ =	swait.ge [sflag:s22], s20  }
0x9f: {  	s3 =	ssub.s32 $0x0, s20;
	[sflag:s22] =	ssyncset.done $0x0  }
0xa0: {  	[sflag:s22] =	ssyncadd.s32 s3;
	_ =	sdelay $0x1  }
0xa1: {  	s23 =	simm.s32 $0x1B8B  }
0xa2: {  	_ =	swait.ge [sflag:s23], $0x1  }
0xa3: {  	[sflag:s23] =	ssyncset.done $0x0  }
0xa4: {  	s25 =	simm.s32 $0x1B8E;
	s24 =	sld [smem:$0x3FFE];
	[sflag:s23] =	ssyncadd.s32 $0xFFFFFFFF  }
0xa5: {  	s26 =	simm.s32 $execute0_lowered;
	[smem:$0x3FD2] =	sst s25  }
0xa6: {  	s4 =	sshll.u32 s26, $0x1;
	_ =	strace $0x8000004C;
	[dreg:$0x1] =	wrdreg $0xFFFFFFFF  }
0xa7: {  	s28 =	simm.s32 $_size_execute0_lowered;
	s2 =	sadd.s32 s2, s4;
	[dreg:$0x0] =	wrdreg $0x0  }
0xa8: {  	s4 =	sshll.u32 s28, $0x1;
	[dreg:$0x2] =	wrdreg s2  }
0xa9: {  	[dreg:$0x3] =	wrdreg s4  }
0xaa: {  	[dreg:$0x4] =	wrdreg $0xC0  }
0xab: {  	_ =	task [dreg:s6], $0x5FFFF  }
0xac: {  	[dreg:$0x1] =	wrdreg $0xFFFFFFFF  }
0xad: {  	[dreg:$0x0] =	wrdreg $0x60  }
0xae: {  	[dreg:$0x2] =	wrdreg s24  }
0xaf: {  	[dreg:$0x3] =	wrdreg $0xA9000  }
0xb0: {  	[dreg:$0x4] =	wrdreg $0x9  }
0xb1: {  	_ =	task.clear_ibuf [dreg:s6], $0x5FFFF;
	_ =	strace $0x9000004C  }
0xb2: {  	s29 =	simm.s32 $0x9;
	_ =	strace $0x8000004E  }
0xb3: {  	_ =	swait.ge [sflag:s29], $0x1  }
0xb4: {  	[sflag:s29] =	ssyncadd.s32 $0xFFFFFFFF  }
0xb5: {  	_ =	strace $0x9000004E  }
0xb6: {  	_ =	sfence  }
0xb7: {  	s30 =	sld [smem:$0x0];
	_ =	sdelay $0x2  }
0xb8: {  	s31 =	sshll.u32 s1, $0xD;
	s1 =	sshrl.u32 s1, $0x2  }
0xb9: {  	s3 =	sand.u32 $0x4000, s31;
	s1 =	sadd.s32 s1, s30  }
0xba: {  	s0 =	sor.u32 s3, s0;
	s1 =	sshll.u32 s1, $0x11  }
0xbb: {  	s0 =	sor.u32 s1, s0  }
0xbc: {  	s0 =	sadd.s32 $0x8F2B, s0  }
0xbd: {  	[sflag:s0] =	ssyncadd.remote.s32 $0x1  }
0xbe: {  	_ =	sfence.sel $0xFFFF  }
0xbf: {  	[dreg:$0x0] =	wrdreg $0xFFFFFFFF;
	(pc) =	sbr.abs _section_cstart, $3  }
0xc0: {  	[dreg:$0x1] =	wrdreg $0xFFFFFFFF  }
0xc1: {  	_ =	task.clear_ibuf [dreg:s6], $0x2FFFF;
	_ =	strace $0x9FFFFFFF  }
0xc2: {  	(tm) =	ssettm $0x7FFFFFFF  }
0xc3: {  	_ =	shalt  }
tec
execute0_lowered:
.L_overlay_start_1:
0x0: {  	(tag) =	ssettag $0x1  }
0x1: {  	s0 =	srdreg.scid;
	s6 =	rddreg [dreg:$0x0]  }
0x2: {  	s11 =	stileid.u32;
	s2 =	rddreg [dreg:$0x1];
	s3 =	simm.s32 $0x0  }
0x3: {  	s16 =	simm.s32 $0x6;
	s17 =	simm.s32 $0x2800;
	s18 =	simm.s32 $0x80  }
0x4: {  	s19 =	simm.s32 $0x2900;
	s20 =	simm.s32 $0x5;
	s21 =	simm.s32 $0x2880  }
0x5: {  	s22 =	simm.s32 $0x6900;
	s23 =	simm.s32 $0x3;
	s24 =	simm.s32 $0x1  }
0x6: {  	s28 =	simm.s32 $0x2780;
	s29 =	simm.s32 $0x0;
	s8 =	smul.u32 $0x14000, s11  }
0x7: {  	s0 =	sand.u32 $0x1, s0;
	[smem:$0x7FF] =	sst s3;
	s10 =	smul.u32 $0x50000, s11  }
0x8: {  	s4 =	sadd.s32 $0x17A00, s6;
	s5 =	sadd.s32 $0x3A00, s6;
	s31 =	smul.u32 $0x500, s11  }
0x9: {  	s12 =	sadd.s32 $0x3EC00, s6;
	s1 =	sshll.u32 s0, $0x4;
	s7 =	smul.u32 $0x140000, s0  }
0xa: {  	_ =	strace $0x8000004D;
	s25 =	ssub.s32 $0x2, s0;
	[dreg:$0x3] =	wrdreg s12  }
0xb: {  	s0 =	smul.u32 $0x5000, s0;
	s1 =	sor.u32 s11, s1;
	s26 =	sshrl.u32 s25, $0x1  }
0xc: {  	s10 =	sshrl.u32 s10, $0x2;
	s1 =	smul.u32 $0x500, s1;
	s7 =	sadd.s32 s8, s7  }
0xd: {  	s8 =	ssub.s32 s25, s26;
	s15 =	sadd.s32 s10, s2;
	s14 =	sadd.s32 s31, s0  }
0xe: {  	s25 =	simm.s32 $0x4;
	s26 =	simm.s32 $0x2;
	s7 =	sshrl.u32 s7, $0x3  }
0xf: {  	s9 =	sadd.s32 s1, s6;
	s6 =	sadd.s32 s7, s6;
	s7 =	sshll.u32 s11, $0x6  }
0x10: {  	s12 =	smax.u32 s8, $0x1;
	s15 =	sshrl.u32 s15, $0x3;
	s30 =	sor.u32 $0x1C05, s7  }
0x11: {  	s10 =	sadd.s32 s5, s1;
	s9 =	sadd.s32 $0xDA00, s9;
	[dreg:$0x4] =	wrdreg s30  }
0x12: {  	s11 =	sadd.s32 $0x41400, s6;
	s13 =	sadd.s32 $0x4F0, s10;
	[dreg:$0x5] =	wrdreg s9  }
.LBB2_1:
0x13: {  	s0 =	rddreg [dreg:$0x3]  }
0x14: {  	s1 =	rddreg [dreg:$0x4]  }
0x15: {  	[spmem:s15], [sflag:s1] =	dma.local [hbm:s0], $0x2800  }
0x16: {  	s0 =	rddreg [dreg:$0x5]  }
0x17: {  	[tilespmem:s3], [sflag:$0x6] =	stream.linear.gather [hbm4b:s0+s3], $0x2800, $0x38;
	[tilespmem:$0x1E900] =	vst v63  }
0x18: {  	_ =	swait.ge [sflag:s16], $0x2800  }
0x19: {  	[sflag:s16] =	ssyncset.done $0x0  }
0x1a: {  	[sflag:s16] =	ssyncadd.s32 $0xFFFFD800  }
0x1b: {  	[tilespmem:s17], [sflag:$0x3] =	stream.linear.gather [hbm4b:s10+s3], $0x80, $0x38;
	[tilespmem:$0x1E900] =	vst v63  }
0x1c: {  	_ = 	snop  }
0x1d: {  	[tilespmem:s19], [sflag:$0x1] =	stream.indirect.gather [hbm4b:s4+s18], $0x80, s3, s18, $0xb8;
	[tilespmem:$0x1E900] =	vst v63  }
0x1e: {  	s8 =	simm.s32 $0x10;
	s0 =	sadd.s32 $0x20, s14;
	_ =	swait.ge [sflag:s20], $0x2800  }
0x1f: {  	s1 =	sand.u32 $0x70, s8;
	s6 =	sadd.s32 $0xFFFFFFE0, s0;
	[sflag:s20] =	ssyncset.done $0x0  }
0x20: {  	s1 =	sadd.s32 s5, s1;
	s6 =	sand.u32 $0xFFFFF80, s6;
	[sflag:s20] =	ssyncadd.s32 $0xFFFFD800  }
0x21: {  	s1 =	sadd.s32 s6, s1;
	[bflag:$0x0] =	sbarrier.arrive $0xFFFF  }
0x22: {  	[tilespmem:s21], [sflag:$0x4] =	stream.linear.gather [hbm4b:s1+s3], $0x80, $0x38;
	[tilespmem:$0x1E900] =	vst v63  }
0x23: {  	s9 =	simm.s32 $0x80  }
0x24: {  	[tilespmem:s22], [sflag:$0x2] =	stream.indirect.gather [hbm4b:s4+s18], $0x80, s9, s18, $0xb8;
	[tilespmem:$0x1E900] =	vst v63  }
0x25: {  	_ =	swait.ge [sflag:s23], $0x80  }
0x26: {  	[sflag:s23] =	ssyncset.done $0x0  }
0x27: {  	[sflag:s23] =	ssyncadd.s32 $0xFFFFFF80  }
0x28: {  	_ =	swait.ge [sflag:s24], $0x4000  }
0x29: {  	[sflag:s24] =	ssyncset.done $0x0  }
0x2a: {  	s6 =	simm.s32 $0x20;
	[sflag:s24] =	ssyncadd.s32 $0xFFFFC000  }
0x2b: {  	[spmem:s2] =	stream.indirect.scatter.add.f32 [tilespmem:s19], [sflag:$0x6], $0x80, s17, s18, $0xb8;
	[tilespmem:$0x1E900] =	vst v63  }
0x2c: {  	s1 =	sand.u32 $0x70, s6;
	_ =	swait.ge [sflag:s16], $0x4000  }
0x2d: {  	s0 =	sand.u32 $0xFFFFF80, s0;
	s1 =	sadd.s32 s5, s1;
	[sflag:s16] =	ssyncset.done $0x0  }
0x2e: {  	s0 =	sadd.s32 s0, s1;
	[sflag:s16] =	ssyncadd.s32 $0xFFFFC000  }
0x2f: {  	[tilespmem:s17], [sflag:$0x3] =	stream.linear.gather [hbm4b:s0+s3], $0x80, $0x38;
	[tilespmem:$0x1E900] =	vst v63  }
0x30: {  	s8 =	simm.s32 $0x100  }
0x31: {  	[tilespmem:s19], [sflag:$0x1] =	stream.indirect.gather [hbm4b:s4+s18], $0x80, s8, s18, $0xb8;
	[tilespmem:$0x1E900] =	vst v63  }
0x32: {  	_ =	swait.ge [sflag:s25], $0x80  }
0x33: {  	[sflag:s25] =	ssyncset.done $0x0  }
0x34: {  	[sflag:s25] =	ssyncadd.s32 $0xFFFFFF80  }
0x35: {  	s31 =	simm.s32 $0x40;
	_ =	swait.ge [sflag:s26], $0x4000  }
0x36: {  	s30 =	simm.s32 $0x200;
	s9 =	simm.s32 $0x30;
	[sflag:s26] =	ssyncset.done $0x0  }
0x37: {  	s1 =	sadd.s32 $0x40, s14;
	s6 =	sand.u32 $0x70, s9;
	[sflag:s26] =	ssyncadd.s32 $0xFFFFC000  }
0x38: {  	[spmem:s2] =	stream.indirect.scatter.add.f32 [tilespmem:s22], [sflag:$0x6], $0x80, s21, s18, $0xb8;
	[tilespmem:$0x1E900] =	vst v63  }
0x39: {  	s9 =	sadd.s32 s5, s6;
	s8 =	sadd.s32 $0xFFFFFFE0, s1;
	_ =	swait.ge [sflag:s16], $0x4000  }
0x3a: {  	s0 =	simm.s32 $0x60;
	s8 =	sand.u32 $0xFFFFF80, s8;
	[sflag:s16] =	ssyncset.done $0x0  }
.LBB2_2:
0x3b: {  	s8 =	sadd.s32 s8, s9  }
0x3c: {  	[sflag:s16] =	ssyncadd.s32 $0xFFFFC000;
	s9 =	smov.u32 s0;
	s6 =	sadd.s32 $0x20, s0  }
0x3d: {  	[tilespmem:s21], [sflag:$0x4] =	stream.linear.gather [hbm4b:s8+s3], $0x80, $0x38;
	[tilespmem:$0x1E900] =	vst v63  }
0x3e: {  	p0 =	sne.s32 s0, $0x4E0;
	s0 =	sadd.s32 $0xFFFFFF80, s30  }
0x3f: {  	[tilespmem:s22], [sflag:$0x2] =	stream.indirect.gather [hbm4b:s4+s18], $0x80, s0, s18, $0xb8;
	[tilespmem:$0x1E900] =	vst v63  }
0x40: {  	_ =	swait.ge [sflag:s23], $0x80  }
0x41: {  	[sflag:s23] =	ssyncset.done $0x0  }
0x42: {  	[sflag:s23] =	ssyncadd.s32 $0xFFFFFF80  }
0x43: {  	_ =	swait.ge [sflag:s24], $0x4000  }
0x44: {  	[sflag:s24] =	ssyncset.done $0x0  }
0x45: {  	[sflag:s24] =	ssyncadd.s32 $0xFFFFC000  }
0x46: {  	[spmem:s2] =	stream.indirect.scatter.add.f32 [tilespmem:s19], [sflag:$0x6], $0x80, s17, s18, $0xb8;
	[tilespmem:$0x1E900] =	vst v63  }
0x47: {  	s0 =	sand.u32 $0x70, s31;
	s31 =	smov.u32 s9;
	_ =	swait.ge [sflag:s16], $0x4000  }
0x48: {  	s1 =	sand.u32 $0xFFFFF80, s1;
	s0 =	sadd.s32 s5, s0;
	[sflag:s16] =	ssyncset.done $0x0  }
0x49: {  	s0 =	sadd.s32 s1, s0;
	[sflag:s16] =	ssyncadd.s32 $0xFFFFC000  }
0x4a: {  	[tilespmem:s17], [sflag:$0x3] =	stream.linear.gather [hbm4b:s0+s3], $0x80, $0x38;
	[tilespmem:$0x1E900] =	vst v63  }
0x4b: {  	_ = 	snop  }
0x4c: {  	[tilespmem:s19], [sflag:$0x1] =	stream.indirect.gather [hbm4b:s4+s18], $0x80, s30, s18, $0xb8;
	[tilespmem:$0x1E900] =	vst v63  }
0x4d: {  	_ =	swait.ge [sflag:s25], $0x80  }
0x4e: {  	[sflag:s25] =	ssyncset.done $0x0  }
0x4f: {  	[sflag:s25] =	ssyncadd.s32 $0xFFFFFF80  }
0x50: {  	s1 =	sadd.s32 s31, s14;
	_ =	swait.ge [sflag:s26], $0x4000  }
.Ltmp0:
0x51: {  	s30 =	sadd.s32 $0x100, s30;
	[sflag:s26] =	ssyncset.done $0x0;
	(pc) =	sbr.rel @p0 .LBB2_2-.Ltmp0, $4  }
0x52: {  	s8 =	sadd.s32 $0xFFFFFFE0, s1;
	s0 =	sadd.s32 $0xFFFFFFF0, s31;
	[sflag:s26] =	ssyncadd.s32 $0xFFFFC000  }
0x53: {  	[spmem:s2] =	stream.indirect.scatter.add.f32 [tilespmem:s22], [sflag:$0x6], $0x80, s21, s18, $0xb8;
	[tilespmem:$0x1E900] =	vst v63  }
0x54: {  	s8 =	sand.u32 $0xFFFFF80, s8;
	s0 =	sand.u32 $0x70, s0;
	_ =	swait.ge [sflag:s16], $0x4000  }
0x55: {  	s9 =	sadd.s32 s5, s0;
	s0 =	smov.u32 s6;
	[sflag:s16] =	ssyncset.done $0x0  }
0x56: {  	s0 =	sadd.s32 s8, s9;
	[sflag:s16] =	ssyncadd.s32 $0xFFFFC000  }
0x57: {  	[tilespmem:s21], [sflag:$0x4] =	stream.linear.gather [hbm4b:s0+s3], $0x80, $0x38;
	[tilespmem:$0x1E900] =	vst v63  }
0x58: {  	s8 =	sadd.s32 $0xFFFFFF80, s30  }
0x59: {  	[tilespmem:s22], [sflag:$0x2] =	stream.indirect.gather [hbm4b:s4+s18], $0x80, s8, s18, $0xb8;
	[tilespmem:$0x1E900] =	vst v63  }
0x5a: {  	_ =	swait.ge [sflag:s23], $0x80  }
0x5b: {  	[sflag:s23] =	ssyncset.done $0x0  }
0x5c: {  	[sflag:s23] =	ssyncadd.s32 $0xFFFFFF80  }
0x5d: {  	_ =	swait.ge [sflag:s24], $0x4000  }
0x5e: {  	[sflag:s24] =	ssyncset.done $0x0  }
0x5f: {  	[sflag:s24] =	ssyncadd.s32 $0xFFFFC000  }
0x60: {  	[spmem:s2] =	stream.indirect.scatter.add.f32 [tilespmem:s19], [sflag:$0x6], $0x80, s17, s18, $0xb8;
	[tilespmem:$0x1E900] =	vst v63  }
0x61: {  	s9 =	sand.u32 $0x70, s31;
	_ =	swait.ge [sflag:s16], $0x4000  }
0x62: {  	s1 =	sand.u32 $0xFFFFF80, s1;
	s0 =	sadd.s32 s5, s9;
	[sflag:s16] =	ssyncset.done $0x0  }
0x63: {  	s0 =	sadd.s32 s1, s0;
	[sflag:s16] =	ssyncadd.s32 $0xFFFFC000  }
0x64: {  	[tilespmem:s17], [sflag:$0x3] =	stream.linear.gather [hbm4b:s0+s3], $0x80, $0x38;
	[tilespmem:$0x1E900] =	vst v63  }
0x65: {  	_ = 	snop  }
0x66: {  	[tilespmem:s19], [sflag:$0x1] =	stream.indirect.gather [hbm4b:s4+s18], $0x80, s30, s18, $0xb8;
	[tilespmem:$0x1E900] =	vst v63  }
0x67: {  	_ =	swait.ge [sflag:s25], $0x80  }
0x68: {  	[sflag:s25] =	ssyncset.done $0x0  }
0x69: {  	[sflag:s25] =	ssyncadd.s32 $0xFFFFFF80  }
0x6a: {  	_ =	swait.ge [sflag:s26], $0x4000  }
0x6b: {  	[sflag:s26] =	ssyncset.done $0x0  }
0x6c: {  	[sflag:s26] =	ssyncadd.s32 $0xFFFFC000  }
0x6d: {  	[spmem:s2] =	stream.indirect.scatter.add.f32 [tilespmem:s22], [sflag:$0x6], $0x80, s21, s18, $0xb8;
	[tilespmem:$0x1E900] =	vst v63  }
0x6e: {  	_ =	swait.ge [sflag:s16], $0x4000  }
0x6f: {  	[sflag:s16] =	ssyncset.done $0x0  }
0x70: {  	[sflag:s16] =	ssyncadd.s32 $0xFFFFC000  }
0x71: {  	[tilespmem:s21], [sflag:$0x4] =	stream.linear.gather [hbm4b:s13+s3], $0x80, $0x38;
	[tilespmem:$0x1E900] =	vst v63  }
0x72: {  	_ = 	snop  }
0x73: {  	[tilespmem:s22], [sflag:$0x2] =	stream.indirect.gather [hbm4b:s4+s18], $0x80, s28, s18, $0xb8;
	[tilespmem:$0x1E900] =	vst v63  }
0x74: {  	_ =	swait.ge [sflag:s23], $0x80  }
0x75: {  	[sflag:s23] =	ssyncset.done $0x0  }
0x76: {  	[sflag:s23] =	ssyncadd.s32 $0xFFFFFF80  }
0x77: {  	_ =	swait.ge [sflag:s24], $0x4000  }
0x78: {  	[sflag:s24] =	ssyncset.done $0x0  }
0x79: {  	[sflag:s24] =	ssyncadd.s32 $0xFFFFC000  }
0x7a: {  	[spmem:s2] =	stream.indirect.scatter.add.f32 [tilespmem:s19], [sflag:$0x6], $0x80, s17, s18, $0xb8;
	[tilespmem:$0x1E900] =	vst v63  }
0x7b: {  	_ =	swait.ge [sflag:s16], $0x4000  }
0x7c: {  	[sflag:s16] =	ssyncset.done $0x0  }
0x7d: {  	[sflag:s16] =	ssyncadd.s32 $0xFFFFC000  }
0x7e: {  	[tilespmem:s17], [sflag:$0x3] =	stream.linear.gather [hbm4b:s13+s3], $0x80, $0x38;
	[tilespmem:$0x1E900] =	vst v63  }
0x7f: {  	_ = 	snop  }
0x80: {  	[tilespmem:s19], [sflag:$0x1] =	stream.indirect.gather [hbm4b:s4+s18], $0x80, s28, s18, $0xb8;
	[tilespmem:$0x1E900] =	vst v63  }
0x81: {  	_ =	swait.ge [sflag:s25], $0x80  }
0x82: {  	[sflag:s25] =	ssyncset.done $0x0  }
0x83: {  	[sflag:s25] =	ssyncadd.s32 $0xFFFFFF80  }
0x84: {  	_ =	swait.ge [sflag:s26], $0x4000  }
0x85: {  	[sflag:s26] =	ssyncset.done $0x0  }
0x86: {  	[sflag:s26] =	ssyncadd.s32 $0xFFFFC000  }
0x87: {  	[spmem:s2] =	stream.indirect.scatter.add.f32 [tilespmem:s22], [sflag:$0x6], $0x80, s21, s18, $0xb8;
	[tilespmem:$0x1E900] =	vst v63  }
0x88: {  	_ =	swait.ge [sflag:s16], $0x4000  }
0x89: {  	[sflag:s16] =	ssyncset.done $0x0  }
0x8a: {  	[sflag:s16] =	ssyncadd.s32 $0xFFFFC000  }
0x8b: {  	_ =	swait.ge [sflag:s23], $0x80  }
0x8c: {  	[sflag:s23] =	ssyncset.done $0x0  }
0x8d: {  	[sflag:s23] =	ssyncadd.s32 $0xFFFFFF80  }
0x8e: {  	_ =	swait.ge [sflag:s24], $0x4000  }
0x8f: {  	s29 =	sadd.s32 $0x1, s29;
	[sflag:s24] =	ssyncset.done $0x0  }
0x90: {  	p0 =	sne.s32 s29, s12;
	[sflag:s24] =	ssyncadd.s32 $0xFFFFC000  }
.Ltmp1:
0x91: {  	s31 =	sor.u32 $0x1C06, s7;
	[bflag:$0x0] =	sbarrier.arrive $0xFFFF;
	(pc) =	sbr.rel @p0 .LBB2_1-.Ltmp1, $4  }
0x92: {  	[hbm:s11], [sflag:s31] =	dma.local [spmem:s15], $0x2800  }
0x93: {  	_ =	swait.ge [sflag:s16], $0x2800  }
0x94: {  	[sflag:s16] =	ssyncset.done $0x0  }
0x95: {  	[sflag:s16] =	ssyncadd.s32 $0xFFFFD800  }
0x96: {  	_ =	sfence.sel $0x180000  }
0x97: {  	[bflag:$0x0] =	sbarrier.arrive $0xFFFF  }
0x98: {  	_ =	strace $0x9000004D  }
0x99: {  	s0 =	stileid.u32;
	[bflag:$0x2] =	sbarrier.arrive $0xFFFF  }
0x9a: {  	p0 =	sne.s32 s0, $0x0;
	s0 =	rddreg [dreg:$0x2]  }
0x9b: {  	s0 =	sadd.s32 @!p0 $0x100000, s0  }
0x9c: {  	[sflag:s0] =	ssyncadd.tile.s32 @!p0 $0x1;
	_ =	shalt  }
.Lfunc_end2:
_tile_overlayer_lowered:
.L_overlay_start_2:
0x9d: {  	(tag) =	ssettag $0x2  }
0x9e: {  	s0 =	rddreg [dreg:$0x0];
	s2 =	stileid.u32  }
0x9f: {  	s1 =	rddreg [dreg:$0x1];
	p0 =	sne.s32 s2, $0x0  }
0xa0: {  	s3 =	rddreg [dreg:$0x2];
	[bflag:$0x3] =	sbarrier.arrive $0xFFFF;
	s2 =	simm.s32 @!p0 $0x1C06  }
0xa1: {  	[timem:s3], [sflag:s2] =	dma.local @!p0 [hbm:s0], s1  }
0xa2: {  	s0 =	simm.s32 @!p0 $0x6  }
0xa3: {  	_ =	swait.ge @!p0 [sflag:s0], s1  }
0xa4: {  	s1 =	ssub.s32 @!p0 $0x0, s1;
	[sflag:s0] =	ssyncset.done @!p0 $0x0  }
0xa5: {  	[sflag:s0] =	ssyncadd.s32 @!p0 s1  }
0xa6: {  	[bflag:$0x3] =	sbarrier.arrive $0xFFFF  }
0xa7: {  	_ =	shalt  }

// kernel: kernel.8.cloned.1.call-start
scs
__scs_entry_jumppad:
0x0: {  	(pc) =	sbr.rel $0x88, $3  }
0x1: {  	(tag) =	ssettag $0x0;
	lr =	simm.s32 $0x1  }
0x2: {  	[smem:$0x3F94] =	sst lr;
	_ =	strace $0xD0000000  }
0x3: {  	_ = 	snop  }
0x4: {  	_ = 	snop  }
0x5: {  	_ = 	snop  }
0x6: {  	_ = 	snop  }
0x7: {  	_ = 	snop  }
__scs_overlays_trampoline_lowered:
0x8: {  	[smem:$0x3FA3] =	sst s0  }
0x9: {  	[smem:$0x3FA4] =	sst s1  }
0xa: {  	[smem:$0x3FA5] =	sst s2  }
0xb: {  	[smem:$0x3FA6] =	sst s3  }
0xc: {  	[smem:$0x3FA7] =	sst s4  }
0xd: {  	[smem:$0x3FA8] =	sst s5  }
0xe: {  	[smem:$0x3FA9] =	sst s6  }
0xf: {  	[smem:$0x3FAA] =	sst s7  }
0x10: {  	[smem:$0x3FAB] =	sst s8  }
0x11: {  	[smem:$0x3FAC] =	sst s9;
	s0 =	simm.s32 @!p0 $0x0  }
0x12: {  	s1 =	sld [smem:$0x3F92];
	s0 =	simm.s32 @p0 $0x1  }
0x13: {  	[smem:$0x3FAD] =	sst s0;
	s0 =	simm.s32 @!p1 $0x0  }
0x14: {  	s2 =	sld [smem:$0x3F91];
	s0 =	simm.s32 @p1 $0x1  }
0x15: {  	[smem:$0x3FAE] =	sst s0;
	s0 =	simm.s32 @!p2 $0x0  }
0x16: {  	s3 =	sld [smem:$0x3FDB];
	s0 =	simm.s32 @p2 $0x1  }
0x17: {  	s4 =	simm.s32 $0x1BF5;
	[smem:$0x3FB0] =	sst s0  }
0x18: {  	s0 =	sld [smem:$0x3F93];
	_ =	swait.ge [sflag:s4], $0x0  }
0x19: {  	s7 =	sld [smem:$0x3F94]  }
0x1a: {  	s8 =	sadd.s32 $0xFFFFE003, lr  }
0x1b: {  	s9 =	sadd.s32 $0xFFFFFEF7, lr;
	s5 =	simm.s32 $0xFFFFFFFF;
	p2 =	slt.u32 s8, $0xFFFFF086  }
0x1c: {  	p1 =	slt.u32 s9, $0xF7A;
	s5 =	simm.s32 @!p2 $0x0  }
0x1d: {  	s5 =	simm.s32 @p1 $0x1;
	p0 =	seq.s32 s7, s2  }
0x1e: {  	s7 =	smul.u32 @!p0 $0xF7A, s2;
	p2 =	seq.s32 @!p0 s5, $0x0  }
0x1f: {  	s9 =	smul.u32 $0xF7A, s1;
	s8 =	simm.s32 @!p0 $0x1BF5;
	p2 =	por !p2, p0  }
0x20: {  	[sflag:s8] =	ssyncset.s32 @!p0 $0xFFFFF086;
	s6 =	sadd.s32 @!p0 s3, s7;
	s7 =	simm.s32 @!p0 $0x108  }
0x21: {  	s3 =	sadd.s32 s3, s9;
	s6 =	sadd.s32 @!p0 $0x88, s6;
	s7 =	simm.s32 @p2 $0x1082  }
0x22: {  	[simem:s7], [sflag:s8] =	dma.local @!p0 [hbm:s6], $0xF7A  }
0x23: {  	s9 =	sor.u32 $0xD0000000, s2;
	s6 =	simm.s32 $0x108;
	_ =	swait.ge @!p0 [sflag:s8], $0x0  }
0x24: {  	s3 =	sadd.s32 $0x88, s3;
	s6 =	simm.s32 @!p1 $0x1082;
	[sflag:s4] =	ssyncset.s32 $0xFFFFF086  }
0x25: {  	[simem:s6], [sflag:s4] =	dma.local [hbm:s3], $0xF7A  }
0x26: {  	[smem:$0x3F94] =	sst s1;
	(tag) =	ssettag s2;
	_ =	strace s9  }
0x27: {  	s1 =	sld [smem:$0x3FA4]  }
0x28: {  	s2 =	sld [smem:$0x3FA5]  }
0x29: {  	s4 =	sld [smem:$0x3FA7]  }
0x2a: {  	p0 =	seq.s32 s5, $0x0;
	s5 =	sld [smem:$0x3FA8]  }
0x2b: {  	s6 =	sld [smem:$0x3FA9]  }
0x2c: {  	s7 =	sld [smem:$0x3FAA]  }
0x2d: {  	s3 =	simm.s32 $0x108;
	s8 =	sld [smem:$0x3FAB]  }
0x2e: {  	s3 =	simm.s32 @!p0 $0x1082;
	s9 =	sld [smem:$0x3FAC]  }
0x2f: {  	lr =	sadd.s32 s0, s3;
	s0 =	sld [smem:$0x3FA3]  }
0x30: {  	s3 =	sld [smem:$0x3FA6]  }
0x31: {  	[smem:$0x3FAF] =	sst s10  }
0x32: {  	s10 =	sld [smem:$0x3FAD];
	_ =	sdelay $0x3  }
0x33: {  	p0 =	seq.s32 s10, $0x1;
	s10 =	sld [smem:$0x3FAF];
	_ =	sdelay $0x3  }
0x34: {  	[smem:$0x3FAF] =	sst s10  }
0x35: {  	s10 =	sld [smem:$0x3FAE];
	_ =	sdelay $0x3  }
0x36: {  	p1 =	seq.s32 s10, $0x1;
	s10 =	sld [smem:$0x3FAF];
	_ =	sdelay $0x3  }
0x37: {  	[smem:$0x3FAF] =	sst s10  }
0x38: {  	s10 =	sld [smem:$0x3FB0]  }
0x39: {  	_ = 	snop;
	(pc) =	sbr.ind lr, $3  }
0x3a: {  	_ = 	snop  }
0x3b: {  	_ = 	snop  }
0x3c: {  	p2 =	seq.s32 s10, $0x1;
	s10 =	sld [smem:$0x3FAF]  }
0x3d: {  	_ =	shalt  }
0x3e: {  	_ =	shalt  }
0x3f: {  	_ =	shalt  }
0x40: {  	_ =	shalt  }
0x41: {  	_ =	shalt  }
0x42: {  	_ =	shalt  }
0x43: {  	_ =	shalt  }
0x44: {  	_ =	shalt  }
0x45: {  	_ =	shalt  }
0x46: {  	_ =	shalt  }
0x47: {  	_ =	shalt  }
0x48: {  	_ =	shalt  }
0x49: {  	_ =	shalt  }
0x4a: {  	_ =	shalt  }
0x4b: {  	_ =	shalt  }
0x4c: {  	_ =	shalt  }
0x4d: {  	_ =	shalt  }
0x4e: {  	_ =	shalt  }
0x4f: {  	_ =	shalt  }
0x50: {  	_ =	shalt  }
0x51: {  	_ =	shalt  }
0x52: {  	_ =	shalt  }
0x53: {  	_ =	shalt  }
0x54: {  	_ =	shalt  }
0x55: {  	_ =	shalt  }
0x56: {  	_ =	shalt  }
0x57: {  	_ =	shalt  }
0x58: {  	_ =	shalt  }
0x59: {  	_ =	shalt  }
0x5a: {  	_ =	shalt  }
0x5b: {  	_ =	shalt  }
0x5c: {  	_ =	shalt  }
0x5d: {  	_ =	shalt  }
0x5e: {  	_ =	shalt  }
0x5f: {  	_ =	shalt  }
0x60: {  	_ =	shalt  }
0x61: {  	_ =	shalt  }
0x62: {  	_ =	shalt  }
0x63: {  	_ =	shalt  }
0x64: {  	_ =	shalt  }
0x65: {  	_ =	shalt  }
0x66: {  	_ =	shalt  }
0x67: {  	_ =	shalt  }
0x68: {  	_ =	shalt  }
0x69: {  	_ =	shalt  }
0x6a: {  	_ =	shalt  }
0x6b: {  	_ =	shalt  }
0x6c: {  	_ =	shalt  }
0x6d: {  	_ =	shalt  }
0x6e: {  	_ =	shalt  }
0x6f: {  	_ =	shalt  }
0x70: {  	_ =	shalt  }
0x71: {  	_ =	shalt  }
0x72: {  	_ =	shalt  }
0x73: {  	_ =	shalt  }
0x74: {  	_ =	shalt  }
0x75: {  	_ =	shalt  }
0x76: {  	_ =	shalt  }
0x77: {  	_ =	shalt  }
0x78: {  	_ =	shalt  }
0x79: {  	_ =	shalt  }
0x7a: {  	_ =	shalt  }
0x7b: {  	_ =	shalt  }
0x7c: {  	_ =	shalt  }
0x7d: {  	_ =	shalt  }
0x7e: {  	_ =	shalt  }
0x7f: {  	_ =	shalt  }
0x80: {  	_ =	shalt  }
0x81: {  	_ =	shalt  }
0x82: {  	_ =	shalt  }
0x83: {  	_ =	shalt  }
0x84: {  	_ =	shalt  }
0x85: {  	_ =	shalt  }
0x86: {  	_ =	shalt  }
0x87: {  	_ =	shalt  }
.Lfunc_end0:
.L_simem_size_0:
called_computation_lowered:
.L_overlay_start_0:
0x88: {  	s2 =	sld [smem:$0x3FD9]  }
0x89: {  	s3 =	sld [smem:$0x3FFE];
	_ =	sdelay $0x1  }
0x8a: {  	s1 =	srdreg.scid  }
0x8b: {  	s0 =	sand.u32 $0x1, s1  }
0x8c: {  	s16 =	sshll.u32 s0, $0xA;
	s2 =	sadd.s32 s3, s2  }
0x8d: {  	s2 =	sadd.s32 s2, s16  }
0x8e: {  	[smem:$0x3FBB] =	sst s2  }
0x8f: {  	_ = 	snop  }
0x90: {  	(tm) =	ssettm $0x1  }
0x91: {  	s17 =	sld [smem:$0x3FFB];
	_ =	sdelay $0x3  }
0x92: {  	_ =	strace s17  }
0x93: {  	s2 =	sld [smem:$0x3FFC];
	_ =	sdelay $0x3  }
0x94: {  	_ =	strace s2  }
0x95: {  	s2 =	sld [smem:$0x3FFD];
	_ =	sdelay $0x3  }
0x96: {  	_ =	strace s2  }
0x97: {  	_ =	strace $0x8FFFFFFF  }
0x98: {  	s18 =	sld [smem:$0x3FDB];
	_ =	sdelay $0x1  }
0x99: {  	s19 =	simm.s32 $_scs_section_size  }
0x9a: {  	s4 =	simm.s32 $_size__tile_overlayer_lowered;
	s5 =	simm.s32 $_tile_overlayer_lowered  }
0x9b: {  	s22 =	simm.s32 $0x1BFF;
	s21 =	sshll.u32 s5, $0x1;
	s2 =	sadd.s32 s19, s18  }
0x9c: {  	s6 =	simm.s32 $0x0;
	s20 =	sshll.u32 s4, $0x1;
	s4 =	sadd.s32 s21, s2  }
0x9d: {  	[timem:s6], [sflag:s22] =	dma.local [hbm:s4], s20  }
0x9e: {  	_ =	swait.ge [sflag:s22], s20  }
0x9f: {  	s3 =	ssub.s32 $0x0, s20;
	[sflag:s22] =	ssyncset.done $0x0  }
0xa0: {  	[sflag:s22] =	ssyncadd.s32 s3;
	_ =	sdelay $0x1  }
0xa1: {  	s23 =	simm.s32 $0x1B8B  }
0xa2: {  	_ =	swait.ge [sflag:s23], $0x1  }
0xa3: {  	[sflag:s23] =	ssyncset.done $0x0  }
0xa4: {  	s25 =	simm.s32 $0x1B8E;
	s24 =	sld [smem:$0x3FFE];
	[sflag:s23] =	ssyncadd.s32 $0xFFFFFFFF  }
0xa5: {  	s26 =	simm.s32 $execute0_lowered;
	[smem:$0x3FD2] =	sst s25  }
0xa6: {  	s4 =	sshll.u32 s26, $0x1;
	_ =	strace $0x80000046;
	[dreg:$0x1] =	wrdreg $0xFFFFFFFF  }
0xa7: {  	s28 =	simm.s32 $_size_execute0_lowered;
	s2 =	sadd.s32 s2, s4;
	[dreg:$0x0] =	wrdreg $0x0  }
0xa8: {  	s4 =	sshll.u32 s28, $0x1;
	[dreg:$0x2] =	wrdreg s2  }
0xa9: {  	[dreg:$0x3] =	wrdreg s4  }
0xaa: {  	[dreg:$0x4] =	wrdreg $0xC0  }
0xab: {  	_ =	task [dreg:s6], $0x5FFFF  }
0xac: {  	[dreg:$0x1] =	wrdreg $0xFFFFFFFF  }
0xad: {  	[dreg:$0x0] =	wrdreg $0x60  }
0xae: {  	[dreg:$0x2] =	wrdreg s24  }
0xaf: {  	[dreg:$0x3] =	wrdreg $0x9  }
0xb0: {  	_ =	task.clear_ibuf [dreg:s6], $0x4FFFF;
	_ =	strace $0x90000046  }
0xb1: {  	s29 =	simm.s32 $0x9;
	_ =	strace $0x80000048  }
0xb2: {  	_ =	swait.ge [sflag:s29], $0x1  }
0xb3: {  	[sflag:s29] =	ssyncadd.s32 $0xFFFFFFFF  }
0xb4: {  	_ =	strace $0x90000048  }
0xb5: {  	_ =	sfence  }
0xb6: {  	s30 =	sld [smem:$0x0];
	_ =	sdelay $0x2  }
0xb7: {  	s31 =	sshll.u32 s1, $0xD;
	s1 =	sshrl.u32 s1, $0x2  }
0xb8: {  	s3 =	sand.u32 $0x4000, s31;
	s1 =	sadd.s32 s1, s30  }
0xb9: {  	s0 =	sor.u32 s3, s0;
	s1 =	sshll.u32 s1, $0x11  }
0xba: {  	s0 =	sor.u32 s1, s0  }
0xbb: {  	s0 =	sadd.s32 $0x8F2B, s0  }
0xbc: {  	[sflag:s0] =	ssyncadd.remote.s32 $0x1  }
0xbd: {  	_ =	sfence.sel $0xFFFF  }
0xbe: {  	[dreg:$0x0] =	wrdreg $0xFFFFFFFF;
	(pc) =	sbr.abs _section_cstart, $3  }
0xbf: {  	[dreg:$0x1] =	wrdreg $0xFFFFFFFF  }
0xc0: {  	_ =	task.clear_ibuf [dreg:s6], $0x2FFFF;
	_ =	strace $0x9FFFFFFF  }
0xc1: {  	(tm) =	ssettm $0x7FFFFFFF  }
tec
execute0_lowered:
.L_overlay_start_1:
0x0: {  	(tag) =	ssettag $0x1  }
0x1: {  	s0 =	srdreg.scid  }
0x2: {  	s4 =	rddreg [dreg:$0x0];
	s2 =	simm.s32 $0x0;
	s3 =	sand.u32 $0x1, s0  }
0x3: {  	s8 =	simm.s32 $0x1;
	s0 =	stileid.u32;
	s1 =	sshll.u32 s3, $0x4  }
0x4: {  	s9 =	simm.s32 $0x80;
	s10 =	simm.s32 $0x400;
	s5 =	sor.u32 s0, s1  }
0x5: {  	s11 =	simm.s32 $0x0;
	[smem:$0x7FF] =	sst s2;
	s6 =	sshrl.u32 s5, $0x3  }
0x6: {  	s7 =	sshll.u32 s0, $0x7;
	s30 =	ssub.s32 $0x2, s3;
	s6 =	smul.u32 $0x14000, s6  }
0x7: {  	s3 =	sadd.s32 $0x17A00, s4;
	s7 =	sand.u32 $0x380, s7;
	s5 =	smul.u32 $0x500, s5  }
0x8: {  	s1 =	rddreg [dreg:$0x1];
	_ =	strace $0x80000047;
	s6 =	sor.u32 s7, s6  }
0x9: {  	s31 =	sshrl.u32 s30, $0x1;
	s5 =	sadd.s32 s5, s4;
	s6 =	sshrl.u32 s6, $0x3  }
0xa: {  	s7 =	ssub.s32 s30, s31;
	s6 =	sadd.s32 s6, s4;
	s4 =	sadd.s32 $0x3A00, s5  }
0xb: {  	v0 =	vimm.f32 $1.000000000e+00;
	s5 =	sadd.s32 $0x18000, s6;
	s6 =	smax.u32 s7, $0x1;
	s7 =	simm.s32 $0x2800  }
.LBB2_1:
0xc: {  	[tilespmem:s7], [sflag:$0x1] =	stream.linear.gather [hbm4b:s3+s2], $0x2800, $0x38;
	[tilespmem:$0x5000] =	vst v63  }
0xd: {  	_ =	swait.ge [sflag:s8], $0x2800  }
0xe: {  	[sflag:s8] =	ssyncset.done $0x0  }
0xf: {  	[sflag:s8] =	ssyncadd.s32 $0xFFFFD800  }
0x10: {  	[tilespmem:s2], [sflag:$0x1] =	stream.linear.gather [hbm4b:s4+s2], $0x2800, $0x38;
	[tilespmem:$0x5000] =	vst v63  }
0x11: {  	_ =	swait.ge [sflag:s8], $0x2800  }
0x12: {  	[sflag:s8] =	ssyncset.done $0x0  }
0x13: {  	s12 =	simm.s32 $0x0;
	[sflag:s8] =	ssyncadd.s32 $0xFFFFD800  }
.LBB2_2:
0x14: {  	s13 =	sshra.s32 s12, $0x2  }
0x15: {  	v1 =	vld [tilespmem:s13+$0x0];
	_ =	sdelay $0x7  }
0x16: {  	[tilespmem:v1+s7+$0x0] =	vst.idx.add.f32.msk $0xffff, v0  }
0x17: {  	v1 =	vld [tilespmem:s13+$0x10];
	_ =	sdelay $0x7  }
0x18: {  	[tilespmem:v1+s7+$0x0] =	vst.idx.add.f32.msk $0xffff, v0  }
0x19: {  	v1 =	vld [tilespmem:s13+$0x20];
	_ =	sdelay $0x7  }
0x1a: {  	[tilespmem:v1+s7+$0x0] =	vst.idx.add.f32.msk $0xffff, v0  }
0x1b: {  	v1 =	vld [tilespmem:s13+$0x30];
	_ =	sdelay $0x7  }
0x1c: {  	[tilespmem:v1+s7+$0x0] =	vst.idx.add.f32.msk $0xffff, v0  }
0x1d: {  	v1 =	vld [tilespmem:s13+$0x40];
	_ =	sdelay $0x7  }
0x1e: {  	[tilespmem:v1+s7+$0x0] =	vst.idx.add.f32.msk $0xffff, v0  }
0x1f: {  	v1 =	vld [tilespmem:s13+$0x50];
	_ =	sdelay $0x7  }
0x20: {  	[tilespmem:v1+s7+$0x0] =	vst.idx.add.f32.msk $0xffff, v0  }
0x21: {  	v1 =	vld [tilespmem:s13+$0x60];
	_ =	sdelay $0x7  }
0x22: {  	[tilespmem:v1+s7+$0x0] =	vst.idx.add.f32.msk $0xffff, v0  }
0x23: {  	v1 =	vld [tilespmem:s13+$0x70];
	_ =	sdelay $0x2  }
0x24: {  	p0 =	sne.s32 s12, $0x9E00  }
.Ltmp0:
0x25: {  	_ = 	snop;
	(pc) =	sbr.rel @p0 .LBB2_2-.Ltmp0, $2  }
0x26: {  	_ =	sdelay $0x2  }
0x27: {  	s12 =	sadd.s32 $0x200, s12;
	[tilespmem:v1+s7+$0x0] =	vst.idx.add.f32.msk $0xffff, v0  }
0x28: {  	s11 =	sadd.s32 $0x1, s11  }
0x29: {  	p0 =	sne.s32 s11, s6  }
.Ltmp1:
0x2a: {  	_ = 	snop;
	(pc) =	sbr.rel @p0 .LBB2_1-.Ltmp1, $4  }
0x2b: {  	[hbm4b:s5+s9] =	stream.strided.scatter [tilespmem:s7], [sflag:$0x1], $0x2800, s10, s9, $0x38;
	[tilespmem:$0x5000] =	vst v63  }
0x2c: {  	_ =	swait.ge [sflag:s8], $0x2800  }
0x2d: {  	[sflag:s8] =	ssyncset.done $0x0  }
0x2e: {  	[sflag:s8] =	ssyncadd.s32 $0xFFFFD800  }
0x2f: {  	_ =	sfence.sel $0x180000  }
0x30: {  	[bflag:$0x0] =	sbarrier.arrive $0xFFFF  }
0x31: {  	p0 =	sne.s32 s0, $0x0;
	_ =	strace $0x90000047  }
0x32: {  	s0 =	sadd.s32 @!p0 $0x100000, s1;
	[bflag:$0x2] =	sbarrier.arrive $0xFFFF  }
0x33: {  	[sflag:s0] =	ssyncadd.tile.s32 @!p0 $0x1;
	_ =	shalt  }
.Lfunc_end2:
_tile_overlayer_lowered:
.L_overlay_start_2:
0x34: {  	(tag) =	ssettag $0x2  }
0x35: {  	s0 =	rddreg [dreg:$0x0];
	s2 =	stileid.u32  }
0x36: {  	s1 =	rddreg [dreg:$0x1];
	p0 =	sne.s32 s2, $0x0  }
0x37: {  	s3 =	rddreg [dreg:$0x2];
	[bflag:$0x3] =	sbarrier.arrive $0xFFFF;
	s2 =	simm.s32 @!p0 $0x1C01  }
0x38: {  	[timem:s3], [sflag:s2] =	dma.local @!p0 [hbm:s0], s1  }
0x39: {  	s0 =	simm.s32 @!p0 $0x1  }
0x3a: {  	_ =	swait.ge @!p0 [sflag:s0], s1  }
0x3b: {  	s1 =	ssub.s32 @!p0 $0x0, s1;
	[sflag:s0] =	ssyncset.done @!p0 $0x0  }
0x3c: {  	[sflag:s0] =	ssyncadd.s32 @!p0 s1  }
0x3d: {  	[bflag:$0x3] =	sbarrier.arrive $0xFFFF  }
0x3e: {  	_ =	shalt  }

</sc_bundles>
